<compile_context>
chip_gen: v7x
topology: tpu7x:2x2x1
jax: 0.10.2.dev20260603
libtpu: 0.0.44.dev20260713+nightly
codegen_flags: <defaults>
</compile_context>

<pallas_src>
import jax
import jax.numpy as jnp
from jax import lax
from jax.experimental import pallas as pl
from jax.experimental.pallas import tpu as pltpu
from jax.experimental.pallas import tpu_sc as plsc

TGB = 128
B, H, DENSE, NS, G, CAP, V = 16, 256, 512, 8, 3, 192, 100000
T = CAP * 2 - 1
TP = 384
TOUT = NS + T
RB = 4
SB = B // RB

_SC_NC, _SC_NS = 2, 16
_NW = _SC_NC * _SC_NS
_TOK_ROWS = 4 * B * CAP
_ROWS_PER_W = _TOK_ROWS // _NW
_CHUNK = 128
_NCH = _ROWS_PER_W // _CHUNK


def _sc_gather_body(tok_idx, tok_emb, out, i0, i1, i2, b0, b1, b2,
                    isem, g0, g1, g2, w0, w1, w2):
    wid = lax.axis_index("s") * _SC_NC + lax.axis_index("c")
    base = wid * _ROWS_PER_W
    idxs, bufs = [i0, i1, i2], [b0, b1, b2]
    gsem, wsem = [g0, g1, g2], [w0, w1, w2]
    ih = [pltpu.async_copy(tok_idx.at[pl.ds(base + k * _CHUNK, _CHUNK)],
                           idxs[k], isem) for k in range(_NCH)]
    hg = [None] * _NCH
    for k in range(_NCH):
        ih[k].wait()
        hg[k] = pltpu.async_copy(tok_emb.at[idxs[k]], bufs[k], gsem[k])
    hw = [None] * _NCH
    for k in range(_NCH):
        hg[k].wait()
        hw[k] = pltpu.async_copy(bufs[k], out.at[pl.ds(base + k * _CHUNK,
                                                       _CHUNK)], wsem[k])
    for k in range(_NCH):
        hw[k].wait()


def _sc_gather(*args):
    fn = pl.kernel(
        _sc_gather_body,
        mesh=plsc.VectorSubcoreMesh(core_axis_name="c", subcore_axis_name="s"),
        out_type=jax.ShapeDtypeStruct((_TOK_ROWS, H), jnp.float32),
        compiler_params=pltpu.CompilerParams(use_tc_tiling_on_sc=True),
        scratch_types=(
            [pltpu.VMEM((_CHUNK,), jnp.int32) for _ in range(_NCH)]
            + [pltpu.VMEM((_CHUNK, H), jnp.float32) for _ in range(_NCH)]
            + [pltpu.SemaphoreType.DMA for _ in range(1 + 2 * _NCH)]
        ),
    )
    return fn(*args)


def _ln(x, g, b, eps=1e-5):
    m = jnp.mean(x, axis=-1, keepdims=True)
    v = jnp.mean((x - m) * (x - m), axis=-1, keepdims=True)
    return (x - m) * lax.rsqrt(v + eps) * g + b


def _silu(x):
    return x * jax.nn.sigmoid(x)


def _tc_body(len_ref, ev4_ref, g_ref, th_ref,
             dense_ref, user_ref, ctx_ref, cpost_ref, cauth_ref, cand_ref,
             Wd_ref, bd_ref, lndg_ref, lndb_ref, ln6g_ref, ln6b_ref,
             Wa1_ref, ba1_ref, Wa2_ref, ba2_ref, gpe_ref,
             lneg_ref, lneb_ref, We1_ref, be1_ref, We2_ref, be2_ref,
             tg_ref, sg_ref, spe_ref, sep_ref,
             out_tok_ref, out_mask_ref, ns_scr):
    b = pl.program_id(0)
    bf16 = jnp.bfloat16

    @pl.when(b == 0)
    def _ns_path():
        x = jnp.dot(dense_ref[...], Wd_ref[...],
                    preferred_element_type=jnp.float32) + bd_ref[...]
        ds = _silu(_ln(x, lndg_ref[...], lndb_ref[...]))
        fused = jnp.concatenate(
            [ds, user_ref[...], ctx_ref[...], cpost_ref[...],
             cauth_ref[...], cand_ref[...]], axis=1)
        hq = _ln(fused, ln6g_ref[...], ln6b_ref[...])
        hq = _silu(jnp.dot(hq, Wa1_ref[...],
                           preferred_element_type=jnp.float32) + ba1_ref[...])
        for k in range(NS):
            ns_scr[k] = (jnp.dot(hq, Wa2_ref[:, k * H:(k + 1) * H],
                                 preferred_element_type=jnp.float32)
                         + ba2_ref[k:k + 1, :] + gpe_ref[k:k + 1, :])

    th_chunks, gh_chunks = [], []
    for rr_ in range(RB):
        g_r = g_ref[rr_]
        th_r = th_ref[rr_]
        th_r = jnp.minimum(jnp.maximum(th_r, 0), TGB)
        vg = lax.broadcasted_iota(jnp.int32, (TGB + 1, CAP), 0)
        Nth = (vg == jnp.broadcast_to(th_r, (TGB + 1, CAP))).astype(
            jnp.float32)
        th_chunks.append(lax.dot_general(
            Nth, tg_ref[...], (((0,), (0,)), ((), ())),
            preferred_element_type=jnp.float32))
        vg2 = lax.broadcasted_iota(jnp.int32, (G + 1, CAP), 0)
        Ng = (vg2 == jnp.broadcast_to(g_r, (G + 1, CAP))).astype(jnp.float32)
        gh_chunks.append(lax.dot_general(
            Ng, sg_ref[...], (((0,), (0,)), ((), ())),
            preferred_element_type=jnp.float32))
    th_chunk = jnp.concatenate(th_chunks, axis=0)
    gh_chunk = jnp.concatenate(gh_chunks, axis=0)

    M = RB * CAP
    xs = [ev4_ref[c].reshape(M, H) for c in range(4)] + [th_chunk, gh_chunk]
    s = xs[0].sum(axis=1, keepdims=True)
    ss = (xs[0] * xs[0]).sum(axis=1, keepdims=True)
    for c in range(1, 6):
        s = s + xs[c].sum(axis=1, keepdims=True)
        ss = ss + (xs[c] * xs[c]).sum(axis=1, keepdims=True)
    inv = 1.0 / (6 * H)
    m = s * inv
    var = ss * inv - m * m
    r = lax.rsqrt(var + 1e-5)
    acc = None
    for c in range(6):
        y = ((xs[c] - m) * r * lneg_ref[c] + lneb_ref[c]).astype(bf16)
        p = jnp.dot(y, We1_ref[c].astype(bf16),
                    preferred_element_type=jnp.float32)
        acc = p if acc is None else acc + p
    h = _silu(acc + be1_ref[...])
    evs = jnp.dot(h.astype(bf16), We2_ref[...].astype(bf16),
                  preferred_element_type=jnp.float32) + be2_ref[...]

    rrm = lax.broadcasted_iota(jnp.int32, (CAP, CAP), 0)
    ccm = lax.broadcasted_iota(jnp.int32, (CAP, CAP), 1)
    mlt = (rrm < ccm).astype(jnp.float32)
    for rr_ in range(RB):
        g_r = g_ref[rr_]
        ev_row = evs[rr_ * CAP:(rr_ + 1) * CAP]
        L = len_ref[b * RB + rr_]
        ii = lax.broadcasted_iota(jnp.int32, (1, CAP), 1)
        g_next = pltpu.roll(g_r, CAP - 1, 1)
        sep = ((ii + 1) < L) & (g_r != g_next)
        sep_f = sep.astype(jnp.float32)
        S = jnp.sum(sep.astype(jnp.int32))
        total = L + S
        base = T - total
        nsepb = jnp.dot(sep_f, mlt, preferred_element_type=jnp.float32)
        pos_tok = base + ii + nsepb.astype(jnp.int32)
        valid = ii < L
        tt = lax.broadcasted_iota(jnp.int32, (TP, CAP), 0)
        pt = jnp.broadcast_to(pos_tok, (TP, CAP))
        P = ((tt == pt) & jnp.broadcast_to(valid, (TP, CAP))).astype(bf16)
        merged = jnp.dot(P, ev_row.astype(bf16),
                         preferred_element_type=jnp.float32)
        sepflag = jnp.sum(
            ((tt == pt + 1) & jnp.broadcast_to(sep, (TP, CAP))).astype(
                jnp.float32), axis=1, keepdims=True)
        merged = merged + sepflag * sep_ref[...]
        tcol = lax.broadcasted_iota(jnp.int32, (TP, 1), 0)
        live = (tcol >= base).astype(jnp.float32)
        out_row = (merged[:T] + spe_ref[...]) * live[:T]
        ns_row = ns_scr[:, pl.ds(b * RB + rr_, 1), :].reshape(NS, H)
        out_tok_ref[rr_] = jnp.concatenate([ns_row, out_row], axis=0)
        to = lax.broadcasted_iota(jnp.int32, (1, TOUT), 1)
        out_mask_ref[rr_] = ((to < NS) | (to >= (base + NS))).astype(jnp.int32)


def _tc_specs():
    full = lambda shape: pl.BlockSpec(shape, lambda b, L: (0,) * len(shape))
    in_specs = [
        pl.BlockSpec((4, RB, CAP, H), lambda b, L: (0, b, 0, 0)),
        pl.BlockSpec((RB, 1, CAP), lambda b, L: (b, 0, 0)),
        pl.BlockSpec((RB, 1, CAP), lambda b, L: (b, 0, 0)),
        full((B, DENSE)), full((B, H)), full((B, H)), full((B, H)),
        full((B, H)), full((B, H)),
        full((DENSE, H)), full((1, H)), full((1, H)), full((1, H)),
        full((1, 6 * H)), full((1, 6 * H)),
        full((6 * H, 4 * H)), full((1, 4 * H)),
        full((4 * H, NS * H)), full((NS, H)), full((NS, H)),
        full((6, 1, H)), full((6, 1, H)),
        full((6, H, 4 * H)), full((1, 4 * H)),
        full((4 * H, H)), full((1, H)),
        full((TGB + 1, H)), full((G + 1, H)),
        full((T, H)), full((1, H)),
    ]
    out_specs = [
        pl.BlockSpec((RB, TOUT, H), lambda b, L: (b, 0, 0)),
        pl.BlockSpec((RB, 1, TOUT), lambda b, L: (b, 0, 0)),
    ]
    out_shape = [
        jax.ShapeDtypeStruct((B, TOUT, H), jnp.float32),
        jax.ShapeDtypeStruct((B, 1, TOUT), jnp.int32),
    ]
    scratch = [pltpu.VMEM((NS, B, H), jnp.float32)]
    return in_specs, out_specs, out_shape, scratch


def _tc_forward(lengths, ev4, g3, th3, dense_features, user_tokens,
                context_tokens, candidate_post_tokens,
                candidate_author_tokens, candidate_tokens, Wd, bd, lndg, lndb,
                ln6g, ln6b, Wa1, ba1, Wa2, ba2, gpe, lneg, lneb, We1r, be1,
                We2, be2, tg, sg, spe, sep):
    in_specs, out_specs, out_shape, scratch = _tc_specs()
    grid_spec = pltpu.PrefetchScalarGridSpec(
        num_scalar_prefetch=1,
        grid=(SB,),
        in_specs=in_specs,
        out_specs=out_specs,
        scratch_shapes=scratch,
    )
    return pl.pallas_call(
        _tc_body,
        grid_spec=grid_spec,
        out_shape=out_shape,
    )(lengths, ev4, g3, th3, dense_features, user_tokens, context_tokens,
      candidate_post_tokens, candidate_author_tokens, candidate_tokens,
      Wd, bd, lndg, lndb, ln6g, ln6b, Wa1, ba1, Wa2, ba2, gpe,
      lneg, lneb, We1r, be1, We2, be2, tg, sg, spe, sep)


def kernel(dense_features, user_tokens, context_tokens, candidate_tokens,
           candidate_post_tokens, candidate_author_tokens, history_tokens,
           history_post_tokens, history_author_tokens, history_action_tokens,
           history_time_gap, history_group_ids, history_lengths,
           W_dense, b_dense, ln_d_g, ln_d_b, ln6_g, ln6_b, W_a1, b_a1,
           W_a2, b_a2, group_pos_emb, token_emb, ln_e_g, ln_e_b, W_e1, b_e1,
           W_e2, b_e2, time_gap_emb, seq_group_emb, seq_pos_emb, sep_token):
    i32 = jnp.int32
    tok_idx = jnp.concatenate(
        [history_tokens.reshape(-1), history_post_tokens.reshape(-1),
         history_author_tokens.reshape(-1),
         history_action_tokens.reshape(-1)]).astype(i32)
    ev_rows = _sc_gather(tok_idx, token_emb)
    ev4 = ev_rows.reshape(4, B, CAP, H)

    g3 = history_group_ids.astype(i32).reshape(B, 1, CAP)
    th3 = history_time_gap.astype(i32).reshape(B, 1, CAP)
    tokens, mask3 = _tc_forward(
        history_lengths.astype(i32), ev4, g3, th3,
        dense_features, user_tokens, context_tokens, candidate_post_tokens,
        candidate_author_tokens, candidate_tokens,
        W_dense, b_dense.reshape(1, H), ln_d_g.reshape(1, H),
        ln_d_b.reshape(1, H), ln6_g.reshape(1, 6 * H), ln6_b.reshape(1, 6 * H),
        W_a1, b_a1.reshape(1, 4 * H), W_a2,
        b_a2.reshape(NS, H), group_pos_emb,
        ln_e_g.reshape(6, 1, H), ln_e_b.reshape(6, 1, H),
        W_e1.reshape(6, H, 4 * H), b_e1.reshape(1, 4 * H), W_e2,
        b_e2.reshape(1, H), time_gap_emb, seq_group_emb, seq_pos_emb,
        sep_token.reshape(1, H))
    return tokens, mask3.reshape(B, TOUT) > 0

# --- scband reference (transcript-rebuilt; emitter-appended) ---
"""Pipeline reference for scband-one-trans-model-5248450036152 (READ-ONLY COPY).

The authoritative reference and input builder live on the scoring server;
editing this copy changes nothing except your own understanding.
"""

import jax, jax.numpy as jnp
import numpy as np

TGB = 128
B, H, DENSE, NS, G, CAP, V = 16, 256, 512, 8, 3, 192, 100000
T = CAP * 2 - 1

def _ln(x, g, b, eps=1e-5):
    m = jnp.mean(x, axis=-1, keepdims=True)
    v = jnp.var(x, axis=-1, keepdims=True)
    return (x - m) / jnp.sqrt(v + eps) * g + b

def _silu(x):
    return x * jax.nn.sigmoid(x)

def _build_layout(group_ids, mask):
    g = group_ids
    mk = mask
    idxs = jnp.where(mk, jnp.arange(CAP, dtype=jnp.int32)[None, :], CAP)
    suf_min = jax.lax.cummin(idxs[:, ::-1], axis=1)[:, ::-1]
    nxt = jnp.concatenate([suf_min[:, 1:], jnp.full((B, 1), CAP, idxs.dtype)], axis=1)
    has_next = nxt < CAP
    g_next = jnp.take_along_axis(g, jnp.clip(nxt, 0, CAP - 1), axis=1)
    sep_after = mk & has_next & (g != g_next)
    tok_type = jnp.where(mk, 1, 0).astype(jnp.int32)
    sep_type = jnp.where(sep_after, 2, 0).astype(jnp.int32)
    ptype_slots = jnp.stack([tok_type, sep_type], axis=-1).reshape(B, 2 * CAP)
    tok_src = jnp.broadcast_to(jnp.arange(CAP, dtype=jnp.int32)[None, :], (B, CAP))
    src_slots = jnp.stack([tok_src, jnp.zeros((B, CAP), jnp.int32)], axis=-1).reshape(B, 2 * CAP)
    active = ptype_slots > 0
    cnt = jnp.cumsum(active, axis=1)
    total = cnt[:, -1:]
    pos = jnp.where(active, T - total + cnt - 1, T)
    rows = jnp.arange(B)[:, None]
    src = jnp.zeros((B, T), jnp.int32).at[rows, pos].set(src_slots, mode='drop')
    ptype = jnp.zeros((B, T), jnp.int32).at[rows, pos].set(ptype_slots, mode='drop')
    return src, ptype

def setup_inputs(seed: int = 0):
    key = jax.random.key(seed)
    ks = jax.random.split(key, 40)
    def init(k, shape):
        return jax.random.normal(k, shape, jnp.float32) * 0.02
    inp = {}
    inp["dense_features"] = jax.random.normal(ks[0], (B, DENSE), jnp.float32)
    for i, n in enumerate(["user_tokens", "context_tokens", "candidate_tokens", "candidate_post_tokens", "candidate_author_tokens"]):
        inp[n] = jax.random.normal(ks[1 + i], (B, H), jnp.float32)
    inp["history_tokens"] = jax.random.randint(ks[6], (B, CAP), 0, V)
    inp["history_post_tokens"] = jax.random.randint(ks[7], (B, CAP), 0, V)
    inp["history_author_tokens"] = jax.random.randint(ks[8], (B, CAP), 0, V)
    inp["history_action_tokens"] = jax.random.randint(ks[9], (B, CAP), 0, V)
    inp["history_time_gap"] = jax.random.randint(ks[10], (B, CAP), 0, TGB + 1)
    inp["history_group_ids"] = jnp.sort(jax.random.randint(ks[11], (B, CAP), 0, G + 1), axis=-1)
    inp["history_lengths"] = jax.random.randint(ks[12], (B,), 1, CAP).astype(jnp.int32)
    inp["W_dense"] = init(ks[13], (DENSE, H)); inp["b_dense"] = jnp.zeros((H,), jnp.float32)
    inp["ln_d_g"] = jnp.ones((H,), jnp.float32); inp["ln_d_b"] = jnp.zeros((H,), jnp.float32)
    inp["ln6_g"] = jnp.ones((6 * H,), jnp.float32); inp["ln6_b"] = jnp.zeros((6 * H,), jnp.float32)
    inp["W_a1"] = init(ks[14], (6 * H, 4 * H)); inp["b_a1"] = jnp.zeros((4 * H,), jnp.float32)
    inp["W_a2"] = init(ks[15], (4 * H, NS * H)); inp["b_a2"] = jnp.zeros((NS * H,), jnp.float32)
    inp["group_pos_emb"] = init(ks[16], (NS, H))
    inp["token_emb"] = init(ks[17], (V, H)).at[0].set(0.0)
    inp["ln_e_g"] = jnp.ones((6 * H,), jnp.float32); inp["ln_e_b"] = jnp.zeros((6 * H,), jnp.float32)
    inp["W_e1"] = init(ks[18], (6 * H, 4 * H)); inp["b_e1"] = jnp.zeros((4 * H,), jnp.float32)
    inp["W_e2"] = init(ks[19], (4 * H, H)); inp["b_e2"] = jnp.zeros((H,), jnp.float32)
    inp["time_gap_emb"] = init(ks[20], (TGB + 1, H)).at[0].set(0.0)
    inp["seq_group_emb"] = init(ks[21], (G + 1, H)).at[0].set(0.0)
    inp["seq_pos_emb"] = init(ks[22], (T, H))
    inp["sep_token"] = init(ks[23], (H,))
    return inp

def reference(dense_features, user_tokens, context_tokens, candidate_tokens, candidate_post_tokens, candidate_author_tokens, history_tokens, history_post_tokens, history_author_tokens, history_action_tokens, history_time_gap, history_group_ids, history_lengths, W_dense, b_dense, ln_d_g, ln_d_b, ln6_g, ln6_b, W_a1, b_a1, W_a2, b_a2, group_pos_emb, token_emb, ln_e_g, ln_e_b, W_e1, b_e1, W_e2, b_e2, time_gap_emb, seq_group_emb, seq_pos_emb, sep_token):
    # AutoSplitNSTokenizer
    dense_summary = _silu(_ln(dense_features @ W_dense + b_dense, ln_d_g, ln_d_b))
    fused = jnp.concatenate([dense_summary, user_tokens, context_tokens, candidate_post_tokens, candidate_author_tokens, candidate_tokens], axis=-1)
    h = _ln(fused, ln6_g, ln6_b)
    h = _silu(h @ W_a1 + b_a1)
    ns_tokens = (h @ W_a2 + b_a2).reshape(B, NS, H) + group_pos_emb[None]
    # UnifiedSequentialTokenizer
    hist_mask = jnp.arange(CAP)[None, :] < history_lengths[:, None]
    hh = token_emb[history_tokens]
    ph = token_emb[history_post_tokens]
    ah = token_emb[history_author_tokens]
    ch = token_emb[history_action_tokens]
    th = time_gap_emb[jnp.clip(history_time_gap, 0, TGB)]
    gh = seq_group_emb[history_group_ids]
    ev = jnp.concatenate([hh, ph, ah, ch, th, gh], axis=-1)
    ev = _ln(ev, ln_e_g, ln_e_b)
    ev = _silu(ev @ W_e1 + b_e1)
    event_tokens = ev @ W_e2 + b_e2
    # merge_with_sep: layout depends only on integer inputs
    src, ptype = _build_layout(history_group_ids, hist_mask)
    gathered = event_tokens[jnp.arange(B)[:, None], src]
    merged = gathered * (ptype == 1)[..., None].astype(jnp.float32) + sep_token[None, None, :] * (ptype == 2)[..., None].astype(jnp.float32)
    merged_mask = ptype > 0
    merged = merged + seq_pos_emb[None]
    merged = merged * merged_mask[..., None].astype(jnp.float32)
    out_tokens = jnp.concatenate([ns_tokens, merged], axis=1)
    out_mask = jnp.concatenate([jnp.ones((B, NS), bool), merged_mask], axis=1)
    return (out_tokens, out_mask)

if __name__ == "__main__":
    import jax
    _d = setup_inputs()
    print(jax.jit(kernel)(*tuple(_d.values())))

</pallas_src>

<mosaic_0001>
#map = affine_map<(d0, d1) -> (0)>
#map1 = affine_map<(d0, d1) -> (0, 0)>
module attributes {stable_mosaic.version = 14 : i64} {
  func.func @_sc_gather_body(%arg0: i32, %arg1: i32, %arg2: memref<12288xi32, #tpu.memory_space<hbm>>, %arg3: memref<100000x256xf32, #tpu.memory_space<hbm>>, %arg4: memref<12288x256xf32, #tpu.memory_space<hbm>>, %arg5: memref<128xi32, #tpu.memory_space<vmem>>, %arg6: memref<128xi32, #tpu.memory_space<vmem>>, %arg7: memref<128xi32, #tpu.memory_space<vmem>>, %arg8: memref<128x256xf32, #tpu.memory_space<vmem>>, %arg9: memref<128x256xf32, #tpu.memory_space<vmem>>, %arg10: memref<128x256xf32, #tpu.memory_space<vmem>>, %arg11: memref<!tpu.dma_semaphore, #tpu.memory_space<semaphore_mem>>, %arg12: memref<!tpu.dma_semaphore, #tpu.memory_space<semaphore_mem>>, %arg13: memref<!tpu.dma_semaphore, #tpu.memory_space<semaphore_mem>>, %arg14: memref<!tpu.dma_semaphore, #tpu.memory_space<semaphore_mem>>, %arg15: memref<!tpu.dma_semaphore, #tpu.memory_space<semaphore_mem>>, %arg16: memref<!tpu.dma_semaphore, #tpu.memory_space<semaphore_mem>>, %arg17: memref<!tpu.dma_semaphore, #tpu.memory_space<semaphore_mem>>) attributes {dimension_semantics = [#tpu.dimension_semantics<core_parallel>, #tpu.dimension_semantics<subcore_parallel>], iteration_bounds = array<i64: 2, 16>, scalar_prefetch = 0 : i64, scratch_operands = 13 : i64, tpu.core_type = #tpu.core_type<sc_vector_subcore>, window_params = [{transform_indices = #map}, {transform_indices = #map1}, {transform_indices = #map1}]} {
    %mul3A = arith.constant 2 : i32
    %mul3A_0 = arith.muli %arg1, %mul3A : i32
    %add3A = arith.addi %mul3A_0, %arg0 : i32
    %mul3A_1 = arith.constant 384 : i32
    %mul3A_2 = arith.muli %add3A, %mul3A_1 : i32
    %add3A_3 = arith.constant 0 : i32
    %add3A_4 = arith.addi %mul3A_2, %add3A_3 : i32
    %dma_start3A = tpu.memref_slice %arg2[%add3A_4] : memref<12288xi32, #tpu.memory_space<hbm>> -> memref<128xi32, #tpu.memory_space<hbm>>
    %dma_start3A_5 = tpu.memref_slice %arg2[%add3A_4] : memref<12288xi32, #tpu.memory_space<hbm>> -> memref<128xi32, #tpu.memory_space<hbm>>
    tpu.enqueue_dma source(%dma_start3A_5 : memref<128xi32, #tpu.memory_space<hbm>>) target(%arg5 : memref<128xi32, #tpu.memory_space<vmem>>) target_semaphore(%arg11 : memref<!tpu.dma_semaphore, #tpu.memory_space<semaphore_mem>>)
    %add3A_6 = arith.constant 128 : i32
    %add3A_7 = arith.addi %mul3A_2, %add3A_6 : i32
    %dma_start3A_8 = tpu.memref_slice %arg2[%add3A_7] : memref<12288xi32, #tpu.memory_space<hbm>> -> memref<128xi32, #tpu.memory_space<hbm>>
    %dma_start3A_9 = tpu.memref_slice %arg2[%add3A_7] : memref<12288xi32, #tpu.memory_space<hbm>> -> memref<128xi32, #tpu.memory_space<hbm>>
    tpu.enqueue_dma source(%dma_start3A_9 : memref<128xi32, #tpu.memory_space<hbm>>) target(%arg6 : memref<128xi32, #tpu.memory_space<vmem>>) target_semaphore(%arg11 : memref<!tpu.dma_semaphore, #tpu.memory_space<semaphore_mem>>)
    %add3A_10 = arith.constant 256 : i32
    %add3A_11 = arith.addi %mul3A_2, %add3A_10 : i32
    %dma_start3A_12 = tpu.memref_slice %arg2[%add3A_11] : memref<12288xi32, #tpu.memory_space<hbm>> -> memref<128xi32, #tpu.memory_space<hbm>>
    %dma_start3A_13 = tpu.memref_slice %arg2[%add3A_11] : memref<12288xi32, #tpu.memory_space<hbm>> -> memref<128xi32, #tpu.memory_space<hbm>>
    tpu.enqueue_dma source(%dma_start3A_13 : memref<128xi32, #tpu.memory_space<hbm>>) target(%arg7 : memref<128xi32, #tpu.memory_space<vmem>>) target_semaphore(%arg11 : memref<!tpu.dma_semaphore, #tpu.memory_space<semaphore_mem>>)
    %dma_wait3A = tpu.memref_slice %arg2[%add3A_4] : memref<12288xi32, #tpu.memory_space<hbm>> -> memref<128xi32, #tpu.memory_space<hbm>>
    %dma_wait3A_14 = tpu.memref_slice %arg2[%add3A_4] : memref<12288xi32, #tpu.memory_space<hbm>> -> memref<128xi32, #tpu.memory_space<hbm>>
    tpu.wait_dma2 semaphore(%arg11 : memref<!tpu.dma_semaphore, #tpu.memory_space<semaphore_mem>>) src(%dma_wait3A_14 : memref<128xi32, #tpu.memory_space<hbm>>) dst(%arg5 : memref<128xi32, #tpu.memory_space<vmem>>)
    %dma_start3A_15 = arith.constant 0 : i32
    %dma_start3A_16 = arith.constant 0 : i32
    %dma_start3A_17 = tpu.memref_slice %arg3[%dma_start3A_15, %dma_start3A_16] : memref<100000x256xf32, #tpu.memory_space<hbm>> -> memref<100000x256xf32, #tpu.memory_space<hbm>>
    tpu.enqueue_indirect_dma source(%dma_start3A_17 : memref<100000x256xf32, #tpu.memory_space<hbm>>) target(%arg8 : memref<128x256xf32, #tpu.memory_space<vmem>>) offsets(%arg5 : memref<128xi32, #tpu.memory_space<vmem>>) semaphore(%arg12 : memref<!tpu.dma_semaphore, #tpu.memory_space<semaphore_mem>>)
    %dma_wait3A_18 = tpu.memref_slice %arg2[%add3A_7] : memref<12288xi32, #tpu.memory_space<hbm>> -> memref<128xi32, #tpu.memory_space<hbm>>
    %dma_wait3A_19 = tpu.memref_slice %arg2[%add3A_7] : memref<12288xi32, #tpu.memory_space<hbm>> -> memref<128xi32, #tpu.memory_space<hbm>>
    tpu.wait_dma2 semaphore(%arg11 : memref<!tpu.dma_semaphore, #tpu.memory_space<semaphore_mem>>) src(%dma_wait3A_19 : memref<128xi32, #tpu.memory_space<hbm>>) dst(%arg6 : memref<128xi32, #tpu.memory_space<vmem>>)
    %dma_start3A_20 = arith.constant 0 : i32
    %dma_start3A_21 = arith.constant 0 : i32
    %dma_start3A_22 = tpu.memref_slice %arg3[%dma_start3A_20, %dma_start3A_21] : memref<100000x256xf32, #tpu.memory_space<hbm>> -> memref<100000x256xf32, #tpu.memory_space<hbm>>
    tpu.enqueue_indirect_dma source(%dma_start3A_22 : memref<100000x256xf32, #tpu.memory_space<hbm>>) target(%arg9 : memref<128x256xf32, #tpu.memory_space<vmem>>) offsets(%arg6 : memref<128xi32, #tpu.memory_space<vmem>>) semaphore(%arg13 : memref<!tpu.dma_semaphore, #tpu.memory_space<semaphore_mem>>)
    %dma_wait3A_23 = tpu.memref_slice %arg2[%add3A_11] : memref<12288xi32, #tpu.memory_space<hbm>> -> memref<128xi32, #tpu.memory_space<hbm>>
    %dma_wait3A_24 = tpu.memref_slice %arg2[%add3A_11] : memref<12288xi32, #tpu.memory_space<hbm>> -> memref<128xi32, #tpu.memory_space<hbm>>
    tpu.wait_dma2 semaphore(%arg11 : memref<!tpu.dma_semaphore, #tpu.memory_space<semaphore_mem>>) src(%dma_wait3A_24 : memref<128xi32, #tpu.memory_space<hbm>>) dst(%arg7 : memref<128xi32, #tpu.memory_space<vmem>>)
    %dma_start3A_25 = arith.constant 0 : i32
    %dma_start3A_26 = arith.constant 0 : i32
    %dma_start3A_27 = tpu.memref_slice %arg3[%dma_start3A_25, %dma_start3A_26] : memref<100000x256xf32, #tpu.memory_space<hbm>> -> memref<100000x256xf32, #tpu.memory_space<hbm>>
    tpu.enqueue_indirect_dma source(%dma_start3A_27 : memref<100000x256xf32, #tpu.memory_space<hbm>>) target(%arg10 : memref<128x256xf32, #tpu.memory_space<vmem>>) offsets(%arg7 : memref<128xi32, #tpu.memory_space<vmem>>) semaphore(%arg14 : memref<!tpu.dma_semaphore, #tpu.memory_space<semaphore_mem>>)
    %dma_wait3A_28 = arith.constant 0 : i32
    %dma_wait3A_29 = arith.constant 0 : i32
    %dma_wait3A_30 = tpu.memref_slice %arg3[%dma_wait3A_28, %dma_wait3A_29] : memref<100000x256xf32, #tpu.memory_space<hbm>> -> memref<100000x256xf32, #tpu.memory_space<hbm>>
    tpu.wait_indirect_dma semaphore(%arg12 : memref<!tpu.dma_semaphore, #tpu.memory_space<semaphore_mem>>) src(%dma_wait3A_30 : memref<100000x256xf32, #tpu.memory_space<hbm>>) dst(%arg8 : memref<128x256xf32, #tpu.memory_space<vmem>>)
    %add3A_31 = arith.constant 0 : i32
    %add3A_32 = arith.addi %mul3A_2, %add3A_31 : i32
    %dma_start3A_33 = arith.constant 0 : i32
    %dma_start3A_34 = tpu.memref_slice %arg4[%add3A_32, %dma_start3A_33] : memref<12288x256xf32, #tpu.memory_space<hbm>> -> memref<128x256xf32, #tpu.memory_space<hbm>>
    %dma_start3A_35 = arith.constant 0 : i32
    %dma_start3A_36 = tpu.memref_slice %arg4[%add3A_32, %dma_start3A_35] : memref<12288x256xf32, #tpu.memory_space<hbm>> -> memref<128x256xf32, #tpu.memory_space<hbm>>
    tpu.enqueue_dma source(%arg8 : memref<128x256xf32, #tpu.memory_space<vmem>>) target(%dma_start3A_36 : memref<128x256xf32, #tpu.memory_space<hbm>>) target_semaphore(%arg15 : memref<!tpu.dma_semaphore, #tpu.memory_space<semaphore_mem>>)
    %dma_wait3A_37 = arith.constant 0 : i32
    %dma_wait3A_38 = arith.constant 0 : i32
    %dma_wait3A_39 = tpu.memref_slice %arg3[%dma_wait3A_37, %dma_wait3A_38] : memref<100000x256xf32, #tpu.memory_space<hbm>> -> memref<100000x256xf32, #tpu.memory_space<hbm>>
    tpu.wait_indirect_dma semaphore(%arg13 : memref<!tpu.dma_semaphore, #tpu.memory_space<semaphore_mem>>) src(%dma_wait3A_39 : memref<100000x256xf32, #tpu.memory_space<hbm>>) dst(%arg9 : memref<128x256xf32, #tpu.memory_space<vmem>>)
    %add3A_40 = arith.constant 128 : i32
    %add3A_41 = arith.addi %mul3A_2, %add3A_40 : i32
    %dma_start3A_42 = arith.constant 0 : i32
    %dma_start3A_43 = tpu.memref_slice %arg4[%add3A_41, %dma_start3A_42] : memref<12288x256xf32, #tpu.memory_space<hbm>> -> memref<128x256xf32, #tpu.memory_space<hbm>>
    %dma_start3A_44 = arith.constant 0 : i32
    %dma_start3A_45 = tpu.memref_slice %arg4[%add3A_41, %dma_start3A_44] : memref<12288x256xf32, #tpu.memory_space<hbm>> -> memref<128x256xf32, #tpu.memory_space<hbm>>
    tpu.enqueue_dma source(%arg9 : memref<128x256xf32, #tpu.memory_space<vmem>>) target(%dma_start3A_45 : memref<128x256xf32, #tpu.memory_space<hbm>>) target_semaphore(%arg16 : memref<!tpu.dma_semaphore, #tpu.memory_space<semaphore_mem>>)
    %dma_wait3A_46 = arith.constant 0 : i32
    %dma_wait3A_47 = arith.constant 0 : i32
    %dma_wait3A_48 = tpu.memref_slice %arg3[%dma_wait3A_46, %dma_wait3A_47] : memref<100000x256xf32, #tpu.memory_space<hbm>> -> memref<100000x256xf32, #tpu.memory_space<hbm>>
    tpu.wait_indirect_dma semaphore(%arg14 : memref<!tpu.dma_semaphore, #tpu.memory_space<semaphore_mem>>) src(%dma_wait3A_48 : memref<100000x256xf32, #tpu.memory_space<hbm>>) dst(%arg10 : memref<128x256xf32, #tpu.memory_space<vmem>>)
    %add3A_49 = arith.constant 256 : i32
    %add3A_50 = arith.addi %mul3A_2, %add3A_49 : i32
    %dma_start3A_51 = arith.constant 0 : i32
    %dma_start3A_52 = tpu.memref_slice %arg4[%add3A_50, %dma_start3A_51] : memref<12288x256xf32, #tpu.memory_space<hbm>> -> memref<128x256xf32, #tpu.memory_space<hbm>>
    %dma_start3A_53 = arith.constant 0 : i32
    %dma_start3A_54 = tpu.memref_slice %arg4[%add3A_50, %dma_start3A_53] : memref<12288x256xf32, #tpu.memory_space<hbm>> -> memref<128x256xf32, #tpu.memory_space<hbm>>
    tpu.enqueue_dma source(%arg10 : memref<128x256xf32, #tpu.memory_space<vmem>>) target(%dma_start3A_54 : memref<128x256xf32, #tpu.memory_space<hbm>>) target_semaphore(%arg17 : memref<!tpu.dma_semaphore, #tpu.memory_space<semaphore_mem>>)
    %dma_wait3A_55 = arith.constant 0 : i32
    %dma_wait3A_56 = tpu.memref_slice %arg4[%add3A_32, %dma_wait3A_55] : memref<12288x256xf32, #tpu.memory_space<hbm>> -> memref<128x256xf32, #tpu.memory_space<hbm>>
    %dma_wait3A_57 = arith.constant 0 : i32
    %dma_wait3A_58 = tpu.memref_slice %arg4[%add3A_32, %dma_wait3A_57] : memref<12288x256xf32, #tpu.memory_space<hbm>> -> memref<128x256xf32, #tpu.memory_space<hbm>>
    tpu.wait_dma2 semaphore(%arg15 : memref<!tpu.dma_semaphore, #tpu.memory_space<semaphore_mem>>) src(%arg8 : memref<128x256xf32, #tpu.memory_space<vmem>>) dst(%dma_wait3A_58 : memref<128x256xf32, #tpu.memory_space<hbm>>)
    %dma_wait3A_59 = arith.constant 0 : i32
    %dma_wait3A_60 = tpu.memref_slice %arg4[%add3A_41, %dma_wait3A_59] : memref<12288x256xf32, #tpu.memory_space<hbm>> -> memref<128x256xf32, #tpu.memory_space<hbm>>
    %dma_wait3A_61 = arith.constant 0 : i32
    %dma_wait3A_62 = tpu.memref_slice %arg4[%add3A_41, %dma_wait3A_61] : memref<12288x256xf32, #tpu.memory_space<hbm>> -> memref<128x256xf32, #tpu.memory_space<hbm>>
    tpu.wait_dma2 semaphore(%arg16 : memref<!tpu.dma_semaphore, #tpu.memory_space<semaphore_mem>>) src(%arg9 : memref<128x256xf32, #tpu.memory_space<vmem>>) dst(%dma_wait3A_62 : memref<128x256xf32, #tpu.memory_space<hbm>>)
    %dma_wait3A_63 = arith.constant 0 : i32
    %dma_wait3A_64 = tpu.memref_slice %arg4[%add3A_50, %dma_wait3A_63] : memref<12288x256xf32, #tpu.memory_space<hbm>> -> memref<128x256xf32, #tpu.memory_space<hbm>>
    %dma_wait3A_65 = arith.constant 0 : i32
    %dma_wait3A_66 = tpu.memref_slice %arg4[%add3A_50, %dma_wait3A_65] : memref<12288x256xf32, #tpu.memory_space<hbm>> -> memref<128x256xf32, #tpu.memory_space<hbm>>
    tpu.wait_dma2 semaphore(%arg17 : memref<!tpu.dma_semaphore, #tpu.memory_space<semaphore_mem>>) src(%arg10 : memref<128x256xf32, #tpu.memory_space<vmem>>) dst(%dma_wait3A_66 : memref<128x256xf32, #tpu.memory_space<hbm>>)
    return
  }
}

module attributes {stable_mosaic.version = 14 : i64} {
  func.func @_tc_body(%arg0: i32, %arg1: memref<16xi32, #tpu.memory_space<smem>>, %arg2: memref<4x4x192x256xf32, #tpu.memory_space<vmem>>, %arg3: memref<4x1x192xi32, #tpu.memory_space<vmem>>, %arg4: memref<4x1x192xi32, #tpu.memory_space<vmem>>, %arg5: memref<16x512xf32, #tpu.memory_space<vmem>>, %arg6: memref<16x256xf32, #tpu.memory_space<vmem>>, %arg7: memref<16x256xf32, #tpu.memory_space<vmem>>, %arg8: memref<16x256xf32, #tpu.memory_space<vmem>>, %arg9: memref<16x256xf32, #tpu.memory_space<vmem>>, %arg10: memref<16x256xf32, #tpu.memory_space<vmem>>, %arg11: memref<512x256xf32, #tpu.memory_space<vmem>>, %arg12: memref<1x256xf32, #tpu.memory_space<vmem>>, %arg13: memref<1x256xf32, #tpu.memory_space<vmem>>, %arg14: memref<1x256xf32, #tpu.memory_space<vmem>>, %arg15: memref<1x1536xf32, #tpu.memory_space<vmem>>, %arg16: memref<1x1536xf32, #tpu.memory_space<vmem>>, %arg17: memref<1536x1024xf32, #tpu.memory_space<vmem>>, %arg18: memref<1x1024xf32, #tpu.memory_space<vmem>>, %arg19: memref<1024x2048xf32, #tpu.memory_space<vmem>>, %arg20: memref<8x256xf32, #tpu.memory_space<vmem>>, %arg21: memref<8x256xf32, #tpu.memory_space<vmem>>, %arg22: memref<6x1x256xf32, #tpu.memory_space<vmem>>, %arg23: memref<6x1x256xf32, #tpu.memory_space<vmem>>, %arg24: memref<6x256x1024xf32, #tpu.memory_space<vmem>>, %arg25: memref<1x1024xf32, #tpu.memory_space<vmem>>, %arg26: memref<1024x256xf32, #tpu.memory_space<vmem>>, %arg27: memref<1x256xf32, #tpu.memory_space<vmem>>, %arg28: memref<129x256xf32, #tpu.memory_space<vmem>>, %arg29: memref<4x256xf32, #tpu.memory_space<vmem>>, %arg30: memref<383x256xf32, #tpu.memory_space<vmem>>, %arg31: memref<1x256xf32, #tpu.memory_space<vmem>>, %arg32: memref<4x391x256xf32, #tpu.memory_space<vmem>>, %arg33: memref<4x1x391xi32, #tpu.memory_space<vmem>>, %arg34: memref<8x16x256xf32, #tpu.memory_space<vmem>>) attributes {dimension_semantics = [#tpu.dimension_semantics<arbitrary>], iteration_bounds = array<i64: 4>, scalar_prefetch = 1 : i64, scratch_operands = 1 : i64, tpu.core_type = #tpu.core_type<tc>, window_params = [{transform_indices = @transform_0, window_bounds = array<i64: 4, 4, 192, 256>}, {transform_indices = @transform_1, window_bounds = array<i64: 4, 1, 192>}, {transform_indices = @transform_2, window_bounds = array<i64: 4, 1, 192>}, {pipeline_mode = #tpu.pipeline_mode<synchronous>, transform_indices = @transform_3, window_bounds = array<i64: 16, 512>}, {pipeline_mode = #tpu.pipeline_mode<synchronous>, transform_indices = @transform_4, window_bounds = array<i64: 16, 256>}, {pipeline_mode = #tpu.pipeline_mode<synchronous>, transform_indices = @transform_5, window_bounds = array<i64: 16, 256>}, {pipeline_mode = #tpu.pipeline_mode<synchronous>, transform_indices = @transform_6, window_bounds = array<i64: 16, 256>}, {pipeline_mode = #tpu.pipeline_mode<synchronous>, transform_indices = @transform_7, window_bounds = array<i64: 16, 256>}, {pipeline_mode = #tpu.pipeline_mode<synchronous>, transform_indices = @transform_8, window_bounds = array<i64: 16, 256>}, {pipeline_mode = #tpu.pipeline_mode<synchronous>, transform_indices = @transform_9, window_bounds = array<i64: 512, 256>}, {pipeline_mode = #tpu.pipeline_mode<synchronous>, transform_indices = @transform_10, window_bounds = array<i64: 1, 256>}, {pipeline_mode = #tpu.pipeline_mode<synchronous>, transform_indices = @transform_11, window_bounds = array<i64: 1, 256>}, {pipeline_mode = #tpu.pipeline_mode<synchronous>, transform_indices = @transform_12, window_bounds = array<i64: 1, 256>}, {pipeline_mode = #tpu.pipeline_mode<synchronous>, transform_indices = @transform_13, window_bounds = array<i64: 1, 1536>}, {pipeline_mode = #tpu.pipeline_mode<synchronous>, transform_indices = @transform_14, window_bounds = array<i64: 1, 1536>}, {pipeline_mode = #tpu.pipeline_mode<synchronous>, transform_indices = @transform_15, window_bounds = array<i64: 1536, 1024>}, {pipeline_mode = #tpu.pipeline_mode<synchronous>, transform_indices = @transform_16, window_bounds = array<i64: 1, 1024>}, {pipeline_mode = #tpu.pipeline_mode<synchronous>, transform_indices = @transform_17, window_bounds = array<i64: 1024, 2048>}, {pipeline_mode = #tpu.pipeline_mode<synchronous>, transform_indices = @transform_18, window_bounds = array<i64: 8, 256>}, {pipeline_mode = #tpu.pipeline_mode<synchronous>, transform_indices = @transform_19, window_bounds = array<i64: 8, 256>}, {pipeline_mode = #tpu.pipeline_mode<synchronous>, transform_indices = @transform_20, window_bounds = array<i64: 6, 1, 256>}, {pipeline_mode = #tpu.pipeline_mode<synchronous>, transform_indices = @transform_21, window_bounds = array<i64: 6, 1, 256>}, {pipeline_mode = #tpu.pipeline_mode<synchronous>, transform_indices = @transform_22, window_bounds = array<i64: 6, 256, 1024>}, {pipeline_mode = #tpu.pipeline_mode<synchronous>, transform_indices = @transform_23, window_bounds = array<i64: 1, 1024>}, {pipeline_mode = #tpu.pipeline_mode<synchronous>, transform_indices = @transform_24, window_bounds = array<i64: 1024, 256>}, {pipeline_mode = #tpu.pipeline_mode<synchronous>, transform_indices = @transform_25, window_bounds = array<i64: 1, 256>}, {pipeline_mode = #tpu.pipeline_mode<synchronous>, transform_indices = @transform_26, window_bounds = array<i64: 129, 256>}, {pipeline_mode = #tpu.pipeline_mode<synchronous>, transform_indices = @transform_27, window_bounds = array<i64: 4, 256>}, {pipeline_mode = #tpu.pipeline_mode<synchronous>, transform_indices = @transform_28, window_bounds = array<i64: 383, 256>}, {pipeline_mode = #tpu.pipeline_mode<synchronous>, transform_indices = @transform_29, window_bounds = array<i64: 1, 256>}, {transform_indices = @transform_30, window_bounds = array<i64: 4, 391, 256>}, {transform_indices = @transform_31, window_bounds = array<i64: 4, 1, 391>}]} {
    %eq3A = arith.constant 0 : i32
    %eq3A_0 = arith.cmpi eq, %arg0, %eq3A : i32
    %convert_element_type3A = arith.extui %eq3A_0 : i1 to i32
    %cond3A = arith.constant 0 : i32
    %cond3A_1 = arith.cmpi ne, %convert_element_type3A, %cond3A : i32
    scf.if %cond3A_1 {
      %get3A_894 = arith.constant 0 : index
      %get3A_895 = arith.constant 0 : index
      %get3A_896 = vector.load %arg5[%get3A_894, %get3A_895] : memref<16x512xf32, #tpu.memory_space<vmem>>, vector<16x512xf32>
      %get3A_897 = arith.constant 0 : index
      %get3A_898 = arith.constant 0 : index
      %get3A_899 = vector.load %arg11[%get3A_897, %get3A_898] : memref<512x256xf32, #tpu.memory_space<vmem>>, vector<512x256xf32>
      %dot_general3A_900 = arith.constant dense<0.000000e+00> : vector<16x256xf32>
      %dot_general3A_901 = tpu.matmul %get3A_896, %get3A_899, %dot_general3A_900 {dimension_numbers = #tpu.dot_dimension_numbers<[1], [0], [0], [1], [0, 0, 1, 1], [], []>, transpose_lhs_hint = false} : vector<16x512xf32>, vector<512x256xf32>, vector<16x256xf32> -> vector<16x256xf32>
      %get3A_902 = arith.constant 0 : index
      %get3A_903 = arith.constant 0 : index
      %get3A_904 = vector.load %arg12[%get3A_902, %get3A_903] : memref<1x256xf32, #tpu.memory_space<vmem>>, vector<1x256xf32>
      %add3A_905 = vector.broadcast %get3A_904 : vector<1x256xf32> to vector<16x256xf32>
      %add3A_906 = arith.addf %dot_general3A_901, %add3A_905 : vector<16x256xf32>
      %get3A_907 = arith.constant 0 : index
      %get3A_908 = arith.constant 0 : index
      %get3A_909 = vector.load %arg13[%get3A_907, %get3A_908] : memref<1x256xf32, #tpu.memory_space<vmem>>, vector<1x256xf32>
      %get3A_910 = arith.constant 0 : index
      %get3A_911 = arith.constant 0 : index
      %get3A_912 = vector.load %arg14[%get3A_910, %get3A_911] : memref<1x256xf32, #tpu.memory_space<vmem>>, vector<1x256xf32>
      %reduce_sum3A_913 = arith.constant dense<0.000000e+00> : vector<16xf32>
      %reduce_sum3A_914 = vector.multi_reduction <add>, %add3A_906, %reduce_sum3A_913 [1] : vector<16x256xf32> to vector<16xf32>
      %broadcast_in_dim3A_915 = vector.shape_cast %reduce_sum3A_914 : vector<16xf32> to vector<16x1xf32>
      %div3A = arith.constant 2.560000e+02 : f32
      %div3A_916 = vector.broadcast %div3A : f32 to vector<16x1xf32>
      %div3A_917 = arith.divf %broadcast_in_dim3A_915, %div3A_916 : vector<16x1xf32>
      %jit3A = arith.constant 0 : i32
      %reduce_sum3A_918 = arith.constant dense<0.000000e+00> : vector<16xf32>
      %reduce_sum3A_919 = vector.multi_reduction <add>, %add3A_906, %reduce_sum3A_918 [1] : vector<16x256xf32> to vector<16xf32>
      %broadcast_in_dim3A_920 = vector.shape_cast %reduce_sum3A_919 : vector<16xf32> to vector<16x1xf32>
      %div3A_921 = arith.constant 2.560000e+02 : f32
      %div3A_922 = vector.broadcast %div3A_921 : f32 to vector<16x1xf32>
      %div3A_923 = arith.divf %broadcast_in_dim3A_920, %div3A_922 : vector<16x1xf32>
      %sub3A_924 = vector.broadcast %div3A_923 : vector<16x1xf32> to vector<16x256xf32>
      %sub3A_925 = arith.subf %add3A_906, %sub3A_924 : vector<16x256xf32>
      %square3A = arith.mulf %sub3A_925, %sub3A_925 : vector<16x256xf32>
      %convert_element_type3A_926 = arith.sitofp %jit3A : i32 to f32
      %sub3A_927 = arith.constant 2.560000e+02 : f32
      %sub3A_928 = arith.subf %sub3A_927, %convert_element_type3A_926 : f32
      %reduce_sum3A_929 = arith.constant dense<0.000000e+00> : vector<16xf32>
      %reduce_sum3A_930 = vector.multi_reduction <add>, %square3A, %reduce_sum3A_929 [1] : vector<16x256xf32> to vector<16xf32>
      %broadcast_in_dim3A_931 = vector.shape_cast %reduce_sum3A_930 : vector<16xf32> to vector<16x1xf32>
      %div3A_932 = vector.broadcast %sub3A_928 : f32 to vector<16x1xf32>
      %div3A_933 = arith.divf %broadcast_in_dim3A_931, %div3A_932 : vector<16x1xf32>
      %gt3A = arith.constant 0.000000e+00 : f32
      %gt3A_934 = arith.cmpf ogt, %sub3A_928, %gt3A : f32
      %jit3A_935 = arith.constant 0x7FC00000 : f32
      %broadcast_in_dim3A_936 = vector.broadcast %jit3A_935 : f32 to vector<16x1xf32>
      %select_n3A = arith.select %gt3A_934, %div3A_933, %broadcast_in_dim3A_936 : vector<16x1xf32>
      %sub3A_937 = vector.broadcast %div3A_917 : vector<16x1xf32> to vector<16x256xf32>
      %sub3A_938 = arith.subf %add3A_906, %sub3A_937 : vector<16x256xf32>
      %add3A_939 = arith.constant 9.99999974E-6 : f32
      %add3A_940 = vector.broadcast %add3A_939 : f32 to vector<16x1xf32>
      %add3A_941 = arith.addf %select_n3A, %add3A_940 : vector<16x1xf32>
      %sqrt3A = math.sqrt %add3A_941 : vector<16x1xf32>
      %div3A_942 = vector.broadcast %sqrt3A : vector<16x1xf32> to vector<16x256xf32>
      %div3A_943 = arith.divf %sub3A_938, %div3A_942 : vector<16x256xf32>
      %mul3A_944 = vector.broadcast %get3A_909 : vector<1x256xf32> to vector<16x256xf32>
      %mul3A_945 = arith.mulf %div3A_943, %mul3A_944 : vector<16x256xf32>
      %add3A_946 = vector.broadcast %get3A_912 : vector<1x256xf32> to vector<16x256xf32>
      %add3A_947 = arith.addf %mul3A_945, %add3A_946 : vector<16x256xf32>
      %logistic3A_948 = arith.negf %add3A_947 : vector<16x256xf32>
      %logistic3A_949 = math.exp %logistic3A_948 : vector<16x256xf32>
      %logistic3A_950 = arith.constant 1.000000e+00 : f32
      %logistic3A_951 = vector.broadcast %logistic3A_950 : f32 to vector<16x256xf32>
      %logistic3A_952 = arith.addf %logistic3A_951, %logistic3A_949 : vector<16x256xf32>
      %logistic3A_953 = arith.divf %logistic3A_951, %logistic3A_952 : vector<16x256xf32>
      %mul3A_954 = arith.mulf %add3A_947, %logistic3A_953 : vector<16x256xf32>
      %get3A_955 = arith.constant 0 : index
      %get3A_956 = arith.constant 0 : index
      %get3A_957 = vector.load %arg6[%get3A_955, %get3A_956] : memref<16x256xf32, #tpu.memory_space<vmem>>, vector<16x256xf32>
      %get3A_958 = arith.constant 0 : index
      %get3A_959 = arith.constant 0 : index
      %get3A_960 = vector.load %arg7[%get3A_958, %get3A_959] : memref<16x256xf32, #tpu.memory_space<vmem>>, vector<16x256xf32>
      %get3A_961 = arith.constant 0 : index
      %get3A_962 = arith.constant 0 : index
      %get3A_963 = vector.load %arg8[%get3A_961, %get3A_962] : memref<16x256xf32, #tpu.memory_space<vmem>>, vector<16x256xf32>
      %get3A_964 = arith.constant 0 : index
      %get3A_965 = arith.constant 0 : index
      %get3A_966 = vector.load %arg9[%get3A_964, %get3A_965] : memref<16x256xf32, #tpu.memory_space<vmem>>, vector<16x256xf32>
      %get3A_967 = arith.constant 0 : index
      %get3A_968 = arith.constant 0 : index
      %get3A_969 = vector.load %arg10[%get3A_967, %get3A_968] : memref<16x256xf32, #tpu.memory_space<vmem>>, vector<16x256xf32>
      %concatenate3A_970 = tpu.concatenate %mul3A_954, %get3A_957, %get3A_960, %get3A_963, %get3A_966, %get3A_969 in 1 : vector<16x256xf32>, vector<16x256xf32>, vector<16x256xf32>, vector<16x256xf32>, vector<16x256xf32>, vector<16x256xf32> -> vector<16x1536xf32>
      %get3A_971 = arith.constant 0 : index
      %get3A_972 = arith.constant 0 : index
      %get3A_973 = vector.load %arg15[%get3A_971, %get3A_972] : memref<1x1536xf32, #tpu.memory_space<vmem>>, vector<1x1536xf32>
      %get3A_974 = arith.constant 0 : index
      %get3A_975 = arith.constant 0 : index
      %get3A_976 = vector.load %arg16[%get3A_974, %get3A_975] : memref<1x1536xf32, #tpu.memory_space<vmem>>, vector<1x1536xf32>
      %reduce_sum3A_977 = arith.constant dense<0.000000e+00> : vector<16xf32>
      %reduce_sum3A_978 = vector.multi_reduction <add>, %concatenate3A_970, %reduce_sum3A_977 [1] : vector<16x1536xf32> to vector<16xf32>
      %broadcast_in_dim3A_979 = vector.shape_cast %reduce_sum3A_978 : vector<16xf32> to vector<16x1xf32>
      %div3A_980 = arith.constant 1.536000e+03 : f32
      %div3A_981 = vector.broadcast %div3A_980 : f32 to vector<16x1xf32>
      %div3A_982 = arith.divf %broadcast_in_dim3A_979, %div3A_981 : vector<16x1xf32>
      %jit3A_983 = arith.constant 0 : i32
      %reduce_sum3A_984 = arith.constant dense<0.000000e+00> : vector<16xf32>
      %reduce_sum3A_985 = vector.multi_reduction <add>, %concatenate3A_970, %reduce_sum3A_984 [1] : vector<16x1536xf32> to vector<16xf32>
      %broadcast_in_dim3A_986 = vector.shape_cast %reduce_sum3A_985 : vector<16xf32> to vector<16x1xf32>
      %div3A_987 = arith.constant 1.536000e+03 : f32
      %div3A_988 = vector.broadcast %div3A_987 : f32 to vector<16x1xf32>
      %div3A_989 = arith.divf %broadcast_in_dim3A_986, %div3A_988 : vector<16x1xf32>
      %sub3A_990 = vector.broadcast %div3A_989 : vector<16x1xf32> to vector<16x1536xf32>
      %sub3A_991 = arith.subf %concatenate3A_970, %sub3A_990 : vector<16x1536xf32>
      %square3A_992 = arith.mulf %sub3A_991, %sub3A_991 : vector<16x1536xf32>
      %convert_element_type3A_993 = arith.sitofp %jit3A_983 : i32 to f32
      %sub3A_994 = arith.constant 1.536000e+03 : f32
      %sub3A_995 = arith.subf %sub3A_994, %convert_element_type3A_993 : f32
      %reduce_sum3A_996 = arith.constant dense<0.000000e+00> : vector<16xf32>
      %reduce_sum3A_997 = vector.multi_reduction <add>, %square3A_992, %reduce_sum3A_996 [1] : vector<16x1536xf32> to vector<16xf32>
      %broadcast_in_dim3A_998 = vector.shape_cast %reduce_sum3A_997 : vector<16xf32> to vector<16x1xf32>
      %div3A_999 = vector.broadcast %sub3A_995 : f32 to vector<16x1xf32>
      %div3A_1000 = arith.divf %broadcast_in_dim3A_998, %div3A_999 : vector<16x1xf32>
      %gt3A_1001 = arith.constant 0.000000e+00 : f32
      %gt3A_1002 = arith.cmpf ogt, %sub3A_995, %gt3A_1001 : f32
      %jit3A_1003 = arith.constant 0x7FC00000 : f32
      %broadcast_in_dim3A_1004 = vector.broadcast %jit3A_1003 : f32 to vector<16x1xf32>
      %select_n3A_1005 = arith.select %gt3A_1002, %div3A_1000, %broadcast_in_dim3A_1004 : vector<16x1xf32>
      %sub3A_1006 = vector.broadcast %div3A_982 : vector<16x1xf32> to vector<16x1536xf32>
      %sub3A_1007 = arith.subf %concatenate3A_970, %sub3A_1006 : vector<16x1536xf32>
      %add3A_1008 = arith.constant 9.99999974E-6 : f32
      %add3A_1009 = vector.broadcast %add3A_1008 : f32 to vector<16x1xf32>
      %add3A_1010 = arith.addf %select_n3A_1005, %add3A_1009 : vector<16x1xf32>
      %sqrt3A_1011 = math.sqrt %add3A_1010 : vector<16x1xf32>
      %div3A_1012 = vector.broadcast %sqrt3A_1011 : vector<16x1xf32> to vector<16x1536xf32>
      %div3A_1013 = arith.divf %sub3A_1007, %div3A_1012 : vector<16x1536xf32>
      %mul3A_1014 = vector.broadcast %get3A_973 : vector<1x1536xf32> to vector<16x1536xf32>
      %mul3A_1015 = arith.mulf %div3A_1013, %mul3A_1014 : vector<16x1536xf32>
      %add3A_1016 = vector.broadcast %get3A_976 : vector<1x1536xf32> to vector<16x1536xf32>
      %add3A_1017 = arith.addf %mul3A_1015, %add3A_1016 : vector<16x1536xf32>
      %get3A_1018 = arith.constant 0 : index
      %get3A_1019 = arith.constant 0 : index
      %get3A_1020 = vector.load %arg17[%get3A_1018, %get3A_1019] : memref<1536x1024xf32, #tpu.memory_space<vmem>>, vector<1536x1024xf32>
      %dot_general3A_1021 = arith.constant dense<0.000000e+00> : vector<16x1024xf32>
      %dot_general3A_1022 = tpu.matmul %add3A_1017, %get3A_1020, %dot_general3A_1021 {dimension_numbers = #tpu.dot_dimension_numbers<[1], [0], [0], [1], [0, 0, 1, 1], [], []>, transpose_lhs_hint = false} : vector<16x1536xf32>, vector<1536x1024xf32>, vector<16x1024xf32> -> vector<16x1024xf32>
      %get3A_1023 = arith.constant 0 : index
      %get3A_1024 = arith.constant 0 : index
      %get3A_1025 = vector.load %arg18[%get3A_1023, %get3A_1024] : memref<1x1024xf32, #tpu.memory_space<vmem>>, vector<1x1024xf32>
      %add3A_1026 = vector.broadcast %get3A_1025 : vector<1x1024xf32> to vector<16x1024xf32>
      %add3A_1027 = arith.addf %dot_general3A_1022, %add3A_1026 : vector<16x1024xf32>
      %logistic3A_1028 = arith.negf %add3A_1027 : vector<16x1024xf32>
      %logistic3A_1029 = math.exp %logistic3A_1028 : vector<16x1024xf32>
      %logistic3A_1030 = arith.constant 1.000000e+00 : f32
      %logistic3A_1031 = vector.broadcast %logistic3A_1030 : f32 to vector<16x1024xf32>
      %logistic3A_1032 = arith.addf %logistic3A_1031, %logistic3A_1029 : vector<16x1024xf32>
      %logistic3A_1033 = arith.divf %logistic3A_1031, %logistic3A_1032 : vector<16x1024xf32>
      %mul3A_1034 = arith.mulf %add3A_1027, %logistic3A_1033 : vector<16x1024xf32>
      %get3A_1035 = arith.constant 0 : index
      %get3A_1036 = arith.constant 0 : index
      %get3A_1037 = vector.load %arg19[%get3A_1035, %get3A_1036] : memref<1024x2048xf32, #tpu.memory_space<vmem>>, vector<1024x256xf32>
      %dot_general3A_1038 = arith.constant dense<0.000000e+00> : vector<16x256xf32>
      %dot_general3A_1039 = tpu.matmul %mul3A_1034, %get3A_1037, %dot_general3A_1038 {dimension_numbers = #tpu.dot_dimension_numbers<[1], [0], [0], [1], [0, 0, 1, 1], [], []>, transpose_lhs_hint = false} : vector<16x1024xf32>, vector<1024x256xf32>, vector<16x256xf32> -> vector<16x256xf32>
      %get3A_1040 = arith.constant 0 : index
      %get3A_1041 = arith.constant 0 : index
      %get3A_1042 = vector.load %arg20[%get3A_1040, %get3A_1041] : memref<8x256xf32, #tpu.memory_space<vmem>>, vector<1x256xf32>
      %add3A_1043 = vector.broadcast %get3A_1042 : vector<1x256xf32> to vector<16x256xf32>
      %add3A_1044 = arith.addf %dot_general3A_1039, %add3A_1043 : vector<16x256xf32>
      %get3A_1045 = arith.constant 0 : index
      %get3A_1046 = arith.constant 0 : index
      %get3A_1047 = vector.load %arg21[%get3A_1045, %get3A_1046] : memref<8x256xf32, #tpu.memory_space<vmem>>, vector<1x256xf32>
      %add3A_1048 = vector.broadcast %get3A_1047 : vector<1x256xf32> to vector<16x256xf32>
      %add3A_1049 = arith.addf %add3A_1044, %add3A_1048 : vector<16x256xf32>
      %swap3A_1050 = arith.constant 0 : index
      %swap3A_1051 = arith.constant 0 : index
      %swap3A_1052 = arith.constant 0 : index
      %swap3A_1053 = vector.load %arg34[%swap3A_1050, %swap3A_1051, %swap3A_1052] : memref<8x16x256xf32, #tpu.memory_space<vmem>>, vector<1x16x256xf32>
      %swap3A_1054 = vector.shape_cast %swap3A_1053 : vector<1x16x256xf32> to vector<16x256xf32>
      %swap3A_1055 = vector.shape_cast %add3A_1049 : vector<16x256xf32> to vector<1x16x256xf32>
      tpu.vector_store %arg34[%swap3A_1050, %swap3A_1051, %swap3A_1052], %swap3A_1055 {strides = array<i32>} : memref<8x16x256xf32, #tpu.memory_space<vmem>>, vector<1x16x256xf32>,
      %get3A_1056 = arith.constant 0 : index
      %get3A_1057 = arith.constant 256 : index
      %get3A_1058 = vector.load %arg19[%get3A_1056, %get3A_1057] : memref<1024x2048xf32, #tpu.memory_space<vmem>>, vector<1024x256xf32>
      %dot_general3A_1059 = arith.constant dense<0.000000e+00> : vector<16x256xf32>
      %dot_general3A_1060 = tpu.matmul %mul3A_1034, %get3A_1058, %dot_general3A_1059 {dimension_numbers = #tpu.dot_dimension_numbers<[1], [0], [0], [1], [0, 0, 1, 1], [], []>, transpose_lhs_hint = false} : vector<16x1024xf32>, vector<1024x256xf32>, vector<16x256xf32> -> vector<16x256xf32>
      %get3A_1061 = arith.constant 1 : index
      %get3A_1062 = arith.constant 0 : index
      %get3A_1063 = vector.load %arg20[%get3A_1061, %get3A_1062] : memref<8x256xf32, #tpu.memory_space<vmem>>, vector<1x256xf32>
      %add3A_1064 = vector.broadcast %get3A_1063 : vector<1x256xf32> to vector<16x256xf32>
      %add3A_1065 = arith.addf %dot_general3A_1060, %add3A_1064 : vector<16x256xf32>
      %get3A_1066 = arith.constant 1 : index
      %get3A_1067 = arith.constant 0 : index
      %get3A_1068 = vector.load %arg21[%get3A_1066, %get3A_1067] : memref<8x256xf32, #tpu.memory_space<vmem>>, vector<1x256xf32>
      %add3A_1069 = vector.broadcast %get3A_1068 : vector<1x256xf32> to vector<16x256xf32>
      %add3A_1070 = arith.addf %add3A_1065, %add3A_1069 : vector<16x256xf32>
      %swap3A_1071 = arith.constant 1 : index
      %swap3A_1072 = arith.constant 0 : index
      %swap3A_1073 = arith.constant 0 : index
      %swap3A_1074 = vector.load %arg34[%swap3A_1071, %swap3A_1072, %swap3A_1073] : memref<8x16x256xf32, #tpu.memory_space<vmem>>, vector<1x16x256xf32>
      %swap3A_1075 = vector.shape_cast %swap3A_1074 : vector<1x16x256xf32> to vector<16x256xf32>
      %swap3A_1076 = vector.shape_cast %add3A_1070 : vector<16x256xf32> to vector<1x16x256xf32>
      tpu.vector_store %arg34[%swap3A_1071, %swap3A_1072, %swap3A_1073], %swap3A_1076 {strides = array<i32>} : memref<8x16x256xf32, #tpu.memory_space<vmem>>, vector<1x16x256xf32>,
      %get3A_1077 = arith.constant 0 : index
      %get3A_1078 = arith.constant 512 : index
      %get3A_1079 = vector.load %arg19[%get3A_1077, %get3A_1078] : memref<1024x2048xf32, #tpu.memory_space<vmem>>, vector<1024x256xf32>
      %dot_general3A_1080 = arith.constant dense<0.000000e+00> : vector<16x256xf32>
      %dot_general3A_1081 = tpu.matmul %mul3A_1034, %get3A_1079, %dot_general3A_1080 {dimension_numbers = #tpu.dot_dimension_numbers<[1], [0], [0], [1], [0, 0, 1, 1], [], []>, transpose_lhs_hint = false} : vector<16x1024xf32>, vector<1024x256xf32>, vector<16x256xf32> -> vector<16x256xf32>
      %get3A_1082 = arith.constant 2 : index
      %get3A_1083 = arith.constant 0 : index
      %get3A_1084 = vector.load %arg20[%get3A_1082, %get3A_1083] : memref<8x256xf32, #tpu.memory_space<vmem>>, vector<1x256xf32>
      %add3A_1085 = vector.broadcast %get3A_1084 : vector<1x256xf32> to vector<16x256xf32>
      %add3A_1086 = arith.addf %dot_general3A_1081, %add3A_1085 : vector<16x256xf32>
      %get3A_1087 = arith.constant 2 : index
      %get3A_1088 = arith.constant 0 : index
      %get3A_1089 = vector.load %arg21[%get3A_1087, %get3A_1088] : memref<8x256xf32, #tpu.memory_space<vmem>>, vector<1x256xf32>
      %add3A_1090 = vector.broadcast %get3A_1089 : vector<1x256xf32> to vector<16x256xf32>
      %add3A_1091 = arith.addf %add3A_1086, %add3A_1090 : vector<16x256xf32>
      %swap3A_1092 = arith.constant 2 : index
      %swap3A_1093 = arith.constant 0 : index
      %swap3A_1094 = arith.constant 0 : index
      %swap3A_1095 = vector.load %arg34[%swap3A_1092, %swap3A_1093, %swap3A_1094] : memref<8x16x256xf32, #tpu.memory_space<vmem>>, vector<1x16x256xf32>
      %swap3A_1096 = vector.shape_cast %swap3A_1095 : vector<1x16x256xf32> to vector<16x256xf32>
      %swap3A_1097 = vector.shape_cast %add3A_1091 : vector<16x256xf32> to vector<1x16x256xf32>
      tpu.vector_store %arg34[%swap3A_1092, %swap3A_1093, %swap3A_1094], %swap3A_1097 {strides = array<i32>} : memref<8x16x256xf32, #tpu.memory_space<vmem>>, vector<1x16x256xf32>,
      %get3A_1098 = arith.constant 0 : index
      %get3A_1099 = arith.constant 768 : index
      %get3A_1100 = vector.load %arg19[%get3A_1098, %get3A_1099] : memref<1024x2048xf32, #tpu.memory_space<vmem>>, vector<1024x256xf32>
      %dot_general3A_1101 = arith.constant dense<0.000000e+00> : vector<16x256xf32>
      %dot_general3A_1102 = tpu.matmul %mul3A_1034, %get3A_1100, %dot_general3A_1101 {dimension_numbers = #tpu.dot_dimension_numbers<[1], [0], [0], [1], [0, 0, 1, 1], [], []>, transpose_lhs_hint = false} : vector<16x1024xf32>, vector<1024x256xf32>, vector<16x256xf32> -> vector<16x256xf32>
      %get3A_1103 = arith.constant 3 : index
      %get3A_1104 = arith.constant 0 : index
      %get3A_1105 = vector.load %arg20[%get3A_1103, %get3A_1104] : memref<8x256xf32, #tpu.memory_space<vmem>>, vector<1x256xf32>
      %add3A_1106 = vector.broadcast %get3A_1105 : vector<1x256xf32> to vector<16x256xf32>
      %add3A_1107 = arith.addf %dot_general3A_1102, %add3A_1106 : vector<16x256xf32>
      %get3A_1108 = arith.constant 3 : index
      %get3A_1109 = arith.constant 0 : index
      %get3A_1110 = vector.load %arg21[%get3A_1108, %get3A_1109] : memref<8x256xf32, #tpu.memory_space<vmem>>, vector<1x256xf32>
      %add3A_1111 = vector.broadcast %get3A_1110 : vector<1x256xf32> to vector<16x256xf32>
      %add3A_1112 = arith.addf %add3A_1107, %add3A_1111 : vector<16x256xf32>
      %swap3A_1113 = arith.constant 3 : index
      %swap3A_1114 = arith.constant 0 : index
      %swap3A_1115 = arith.constant 0 : index
      %swap3A_1116 = vector.load %arg34[%swap3A_1113, %swap3A_1114, %swap3A_1115] : memref<8x16x256xf32, #tpu.memory_space<vmem>>, vector<1x16x256xf32>
      %swap3A_1117 = vector.shape_cast %swap3A_1116 : vector<1x16x256xf32> to vector<16x256xf32>
      %swap3A_1118 = vector.shape_cast %add3A_1112 : vector<16x256xf32> to vector<1x16x256xf32>
      tpu.vector_store %arg34[%swap3A_1113, %swap3A_1114, %swap3A_1115], %swap3A_1118 {strides = array<i32>} : memref<8x16x256xf32, #tpu.memory_space<vmem>>, vector<1x16x256xf32>,
      %get3A_1119 = arith.constant 0 : index
      %get3A_1120 = arith.constant 1024 : index
      %get3A_1121 = vector.load %arg19[%get3A_1119, %get3A_1120] : memref<1024x2048xf32, #tpu.memory_space<vmem>>, vector<1024x256xf32>
      %dot_general3A_1122 = arith.constant dense<0.000000e+00> : vector<16x256xf32>
      %dot_general3A_1123 = tpu.matmul %mul3A_1034, %get3A_1121, %dot_general3A_1122 {dimension_numbers = #tpu.dot_dimension_numbers<[1], [0], [0], [1], [0, 0, 1, 1], [], []>, transpose_lhs_hint = false} : vector<16x1024xf32>, vector<1024x256xf32>, vector<16x256xf32> -> vector<16x256xf32>
      %get3A_1124 = arith.constant 4 : index
      %get3A_1125 = arith.constant 0 : index
      %get3A_1126 = vector.load %arg20[%get3A_1124, %get3A_1125] : memref<8x256xf32, #tpu.memory_space<vmem>>, vector<1x256xf32>
      %add3A_1127 = vector.broadcast %get3A_1126 : vector<1x256xf32> to vector<16x256xf32>
      %add3A_1128 = arith.addf %dot_general3A_1123, %add3A_1127 : vector<16x256xf32>
      %get3A_1129 = arith.constant 4 : index
      %get3A_1130 = arith.constant 0 : index
      %get3A_1131 = vector.load %arg21[%get3A_1129, %get3A_1130] : memref<8x256xf32, #tpu.memory_space<vmem>>, vector<1x256xf32>
      %add3A_1132 = vector.broadcast %get3A_1131 : vector<1x256xf32> to vector<16x256xf32>
      %add3A_1133 = arith.addf %add3A_1128, %add3A_1132 : vector<16x256xf32>
      %swap3A_1134 = arith.constant 4 : index
      %swap3A_1135 = arith.constant 0 : index
      %swap3A_1136 = arith.constant 0 : index
      %swap3A_1137 = vector.load %arg34[%swap3A_1134, %swap3A_1135, %swap3A_1136] : memref<8x16x256xf32, #tpu.memory_space<vmem>>, vector<1x16x256xf32>
      %swap3A_1138 = vector.shape_cast %swap3A_1137 : vector<1x16x256xf32> to vector<16x256xf32>
      %swap3A_1139 = vector.shape_cast %add3A_1133 : vector<16x256xf32> to vector<1x16x256xf32>
      tpu.vector_store %arg34[%swap3A_1134, %swap3A_1135, %swap3A_1136], %swap3A_1139 {strides = array<i32>} : memref<8x16x256xf32, #tpu.memory_space<vmem>>, vector<1x16x256xf32>,
      %get3A_1140 = arith.constant 0 : index
      %get3A_1141 = arith.constant 1280 : index
      %get3A_1142 = vector.load %arg19[%get3A_1140, %get3A_1141] : memref<1024x2048xf32, #tpu.memory_space<vmem>>, vector<1024x256xf32>
      %dot_general3A_1143 = arith.constant dense<0.000000e+00> : vector<16x256xf32>
      %dot_general3A_1144 = tpu.matmul %mul3A_1034, %get3A_1142, %dot_general3A_1143 {dimension_numbers = #tpu.dot_dimension_numbers<[1], [0], [0], [1], [0, 0, 1, 1], [], []>, transpose_lhs_hint = false} : vector<16x1024xf32>, vector<1024x256xf32>, vector<16x256xf32> -> vector<16x256xf32>
      %get3A_1145 = arith.constant 5 : index
      %get3A_1146 = arith.constant 0 : index
      %get3A_1147 = vector.load %arg20[%get3A_1145, %get3A_1146] : memref<8x256xf32, #tpu.memory_space<vmem>>, vector<1x256xf32>
      %add3A_1148 = vector.broadcast %get3A_1147 : vector<1x256xf32> to vector<16x256xf32>
      %add3A_1149 = arith.addf %dot_general3A_1144, %add3A_1148 : vector<16x256xf32>
      %get3A_1150 = arith.constant 5 : index
      %get3A_1151 = arith.constant 0 : index
      %get3A_1152 = vector.load %arg21[%get3A_1150, %get3A_1151] : memref<8x256xf32, #tpu.memory_space<vmem>>, vector<1x256xf32>
      %add3A_1153 = vector.broadcast %get3A_1152 : vector<1x256xf32> to vector<16x256xf32>
      %add3A_1154 = arith.addf %add3A_1149, %add3A_1153 : vector<16x256xf32>
      %swap3A_1155 = arith.constant 5 : index
      %swap3A_1156 = arith.constant 0 : index
      %swap3A_1157 = arith.constant 0 : index
      %swap3A_1158 = vector.load %arg34[%swap3A_1155, %swap3A_1156, %swap3A_1157] : memref<8x16x256xf32, #tpu.memory_space<vmem>>, vector<1x16x256xf32>
      %swap3A_1159 = vector.shape_cast %swap3A_1158 : vector<1x16x256xf32> to vector<16x256xf32>
      %swap3A_1160 = vector.shape_cast %add3A_1154 : vector<16x256xf32> to vector<1x16x256xf32>
      tpu.vector_store %arg34[%swap3A_1155, %swap3A_1156, %swap3A_1157], %swap3A_1160 {strides = array<i32>} : memref<8x16x256xf32, #tpu.memory_space<vmem>>, vector<1x16x256xf32>,
      %get3A_1161 = arith.constant 0 : index
      %get3A_1162 = arith.constant 1536 : index
      %get3A_1163 = vector.load %arg19[%get3A_1161, %get3A_1162] : memref<1024x2048xf32, #tpu.memory_space<vmem>>, vector<1024x256xf32>
      %dot_general3A_1164 = arith.constant dense<0.000000e+00> : vector<16x256xf32>
      %dot_general3A_1165 = tpu.matmul %mul3A_1034, %get3A_1163, %dot_general3A_1164 {dimension_numbers = #tpu.dot_dimension_numbers<[1], [0], [0], [1], [0, 0, 1, 1], [], []>, transpose_lhs_hint = false} : vector<16x1024xf32>, vector<1024x256xf32>, vector<16x256xf32> -> vector<16x256xf32>
      %get3A_1166 = arith.constant 6 : index
      %get3A_1167 = arith.constant 0 : index
      %get3A_1168 = vector.load %arg20[%get3A_1166, %get3A_1167] : memref<8x256xf32, #tpu.memory_space<vmem>>, vector<1x256xf32>
      %add3A_1169 = vector.broadcast %get3A_1168 : vector<1x256xf32> to vector<16x256xf32>
      %add3A_1170 = arith.addf %dot_general3A_1165, %add3A_1169 : vector<16x256xf32>
      %get3A_1171 = arith.constant 6 : index
      %get3A_1172 = arith.constant 0 : index
      %get3A_1173 = vector.load %arg21[%get3A_1171, %get3A_1172] : memref<8x256xf32, #tpu.memory_space<vmem>>, vector<1x256xf32>
      %add3A_1174 = vector.broadcast %get3A_1173 : vector<1x256xf32> to vector<16x256xf32>
      %add3A_1175 = arith.addf %add3A_1170, %add3A_1174 : vector<16x256xf32>
      %swap3A_1176 = arith.constant 6 : index
      %swap3A_1177 = arith.constant 0 : index
      %swap3A_1178 = arith.constant 0 : index
      %swap3A_1179 = vector.load %arg34[%swap3A_1176, %swap3A_1177, %swap3A_1178] : memref<8x16x256xf32, #tpu.memory_space<vmem>>, vector<1x16x256xf32>
      %swap3A_1180 = vector.shape_cast %swap3A_1179 : vector<1x16x256xf32> to vector<16x256xf32>
      %swap3A_1181 = vector.shape_cast %add3A_1175 : vector<16x256xf32> to vector<1x16x256xf32>
      tpu.vector_store %arg34[%swap3A_1176, %swap3A_1177, %swap3A_1178], %swap3A_1181 {strides = array<i32>} : memref<8x16x256xf32, #tpu.memory_space<vmem>>, vector<1x16x256xf32>,
      %get3A_1182 = arith.constant 0 : index
      %get3A_1183 = arith.constant 1792 : index
      %get3A_1184 = vector.load %arg19[%get3A_1182, %get3A_1183] : memref<1024x2048xf32, #tpu.memory_space<vmem>>, vector<1024x256xf32>
      %dot_general3A_1185 = arith.constant dense<0.000000e+00> : vector<16x256xf32>
      %dot_general3A_1186 = tpu.matmul %mul3A_1034, %get3A_1184, %dot_general3A_1185 {dimension_numbers = #tpu.dot_dimension_numbers<[1], [0], [0], [1], [0, 0, 1, 1], [], []>, transpose_lhs_hint = false} : vector<16x1024xf32>, vector<1024x256xf32>, vector<16x256xf32> -> vector<16x256xf32>
      %get3A_1187 = arith.constant 7 : index
      %get3A_1188 = arith.constant 0 : index
      %get3A_1189 = vector.load %arg20[%get3A_1187, %get3A_1188] : memref<8x256xf32, #tpu.memory_space<vmem>>, vector<1x256xf32>
      %add3A_1190 = vector.broadcast %get3A_1189 : vector<1x256xf32> to vector<16x256xf32>
      %add3A_1191 = arith.addf %dot_general3A_1186, %add3A_1190 : vector<16x256xf32>
      %get3A_1192 = arith.constant 7 : index
      %get3A_1193 = arith.constant 0 : index
      %get3A_1194 = vector.load %arg21[%get3A_1192, %get3A_1193] : memref<8x256xf32, #tpu.memory_space<vmem>>, vector<1x256xf32>
      %add3A_1195 = vector.broadcast %get3A_1194 : vector<1x256xf32> to vector<16x256xf32>
      %add3A_1196 = arith.addf %add3A_1191, %add3A_1195 : vector<16x256xf32>
      %swap3A_1197 = arith.constant 7 : index
      %swap3A_1198 = arith.constant 0 : index
      %swap3A_1199 = arith.constant 0 : index
      %swap3A_1200 = vector.load %arg34[%swap3A_1197, %swap3A_1198, %swap3A_1199] : memref<8x16x256xf32, #tpu.memory_space<vmem>>, vector<1x16x256xf32>
      %swap3A_1201 = vector.shape_cast %swap3A_1200 : vector<1x16x256xf32> to vector<16x256xf32>
      %swap3A_1202 = vector.shape_cast %add3A_1196 : vector<16x256xf32> to vector<1x16x256xf32>
      tpu.vector_store %arg34[%swap3A_1197, %swap3A_1198, %swap3A_1199], %swap3A_1202 {strides = array<i32>} : memref<8x16x256xf32, #tpu.memory_space<vmem>>, vector<1x16x256xf32>,
    } else {
    }
    %get3A = arith.constant 0 : index
    %get3A_2 = arith.constant 0 : index
    %get3A_3 = arith.constant 0 : index
    %get3A_4 = vector.load %arg3[%get3A, %get3A_2, %get3A_3] : memref<4x1x192xi32, #tpu.memory_space<vmem>>, vector<1x1x192xi32>
    %get3A_5 = vector.shape_cast %get3A_4 : vector<1x1x192xi32> to vector<1x192xi32>
    %get3A_6 = arith.constant 0 : index
    %get3A_7 = arith.constant 0 : index
    %get3A_8 = arith.constant 0 : index
    %get3A_9 = vector.load %arg4[%get3A_6, %get3A_7, %get3A_8] : memref<4x1x192xi32, #tpu.memory_space<vmem>>, vector<1x1x192xi32>
    %get3A_10 = vector.shape_cast %get3A_9 : vector<1x1x192xi32> to vector<1x192xi32>
    %max3A = arith.constant 0 : i32
    %max3A_11 = vector.broadcast %max3A : i32 to vector<1x192xi32>
    %max3A_12 = arith.maxsi %get3A_10, %max3A_11 : vector<1x192xi32>
    %min3A = arith.constant 128 : i32
    %min3A_13 = vector.broadcast %min3A : i32 to vector<1x192xi32>
    %min3A_14 = arith.minsi %max3A_12, %min3A_13 : vector<1x192xi32>
    %iota3A = tpu.iota {dimensions = array<i32: 0>} : vector<129x192xi32>
    %broadcast_in_dim3A = vector.shape_cast %min3A_14 : vector<1x192xi32> to vector<1x192xi32>
    %broadcast_in_dim3A_15 = vector.broadcast %broadcast_in_dim3A : vector<1x192xi32> to vector<129x192xi32>
    %eq3A_16 = arith.cmpi eq, %iota3A, %broadcast_in_dim3A_15 : vector<129x192xi32>
    %convert_element_type3A_17 = arith.extui %eq3A_16 : vector<129x192xi1> to vector<129x192xi32>
    %convert_element_type3A_18 = arith.sitofp %convert_element_type3A_17 : vector<129x192xi32> to vector<129x192xf32>
    %get3A_19 = arith.constant 0 : index
    %get3A_20 = arith.constant 0 : index
    %get3A_21 = vector.load %arg28[%get3A_19, %get3A_20] : memref<129x256xf32, #tpu.memory_space<vmem>>, vector<129x256xf32>
    %dot_general3A = arith.constant dense<0.000000e+00> : vector<192x256xf32>
    %dot_general3A_22 = tpu.matmul %convert_element_type3A_18, %get3A_21, %dot_general3A {dimension_numbers = #tpu.dot_dimension_numbers<[0], [0], [1], [1], [0, 1, 1, 1], [], []>, transpose_lhs_hint = false} : vector<129x192xf32>, vector<129x256xf32>, vector<192x256xf32> -> vector<192x256xf32>
    %iota3A_23 = tpu.iota {dimensions = array<i32: 0>} : vector<4x192xi32>
    %broadcast_in_dim3A_24 = vector.shape_cast %get3A_5 : vector<1x192xi32> to vector<1x192xi32>
    %broadcast_in_dim3A_25 = vector.broadcast %broadcast_in_dim3A_24 : vector<1x192xi32> to vector<4x192xi32>
    %eq3A_26 = arith.cmpi eq, %iota3A_23, %broadcast_in_dim3A_25 : vector<4x192xi32>
    %convert_element_type3A_27 = arith.extui %eq3A_26 : vector<4x192xi1> to vector<4x192xi32>
    %convert_element_type3A_28 = arith.sitofp %convert_element_type3A_27 : vector<4x192xi32> to vector<4x192xf32>
    %get3A_29 = arith.constant 0 : index
    %get3A_30 = arith.constant 0 : index
    %get3A_31 = vector.load %arg29[%get3A_29, %get3A_30] : memref<4x256xf32, #tpu.memory_space<vmem>>, vector<4x256xf32>
    %dot_general3A_32 = arith.constant dense<0.000000e+00> : vector<192x256xf32>
    %dot_general3A_33 = tpu.matmul %convert_element_type3A_28, %get3A_31, %dot_general3A_32 {dimension_numbers = #tpu.dot_dimension_numbers<[0], [0], [1], [1], [0, 1, 1, 1], [], []>, transpose_lhs_hint = false} : vector<4x192xf32>, vector<4x256xf32>, vector<192x256xf32> -> vector<192x256xf32>
    %get3A_34 = arith.constant 1 : index
    %get3A_35 = arith.constant 0 : index
    %get3A_36 = arith.constant 0 : index
    %get3A_37 = vector.load %arg3[%get3A_34, %get3A_35, %get3A_36] : memref<4x1x192xi32, #tpu.memory_space<vmem>>, vector<1x1x192xi32>
    %get3A_38 = vector.shape_cast %get3A_37 : vector<1x1x192xi32> to vector<1x192xi32>
    %get3A_39 = arith.constant 1 : index
    %get3A_40 = arith.constant 0 : index
    %get3A_41 = arith.constant 0 : index
    %get3A_42 = vector.load %arg4[%get3A_39, %get3A_40, %get3A_41] : memref<4x1x192xi32, #tpu.memory_space<vmem>>, vector<1x1x192xi32>
    %get3A_43 = vector.shape_cast %get3A_42 : vector<1x1x192xi32> to vector<1x192xi32>
    %max3A_44 = arith.constant 0 : i32
    %max3A_45 = vector.broadcast %max3A_44 : i32 to vector<1x192xi32>
    %max3A_46 = arith.maxsi %get3A_43, %max3A_45 : vector<1x192xi32>
    %min3A_47 = arith.constant 128 : i32
    %min3A_48 = vector.broadcast %min3A_47 : i32 to vector<1x192xi32>
    %min3A_49 = arith.minsi %max3A_46, %min3A_48 : vector<1x192xi32>
    %iota3A_50 = tpu.iota {dimensions = array<i32: 0>} : vector<129x192xi32>
    %broadcast_in_dim3A_51 = vector.shape_cast %min3A_49 : vector<1x192xi32> to vector<1x192xi32>
    %broadcast_in_dim3A_52 = vector.broadcast %broadcast_in_dim3A_51 : vector<1x192xi32> to vector<129x192xi32>
    %eq3A_53 = arith.cmpi eq, %iota3A_50, %broadcast_in_dim3A_52 : vector<129x192xi32>
    %convert_element_type3A_54 = arith.extui %eq3A_53 : vector<129x192xi1> to vector<129x192xi32>
    %convert_element_type3A_55 = arith.sitofp %convert_element_type3A_54 : vector<129x192xi32> to vector<129x192xf32>
    %get3A_56 = arith.constant 0 : index
    %get3A_57 = arith.constant 0 : index
    %get3A_58 = vector.load %arg28[%get3A_56, %get3A_57] : memref<129x256xf32, #tpu.memory_space<vmem>>, vector<129x256xf32>
    %dot_general3A_59 = arith.constant dense<0.000000e+00> : vector<192x256xf32>
    %dot_general3A_60 = tpu.matmul %convert_element_type3A_55, %get3A_58, %dot_general3A_59 {dimension_numbers = #tpu.dot_dimension_numbers<[0], [0], [1], [1], [0, 1, 1, 1], [], []>, transpose_lhs_hint = false} : vector<129x192xf32>, vector<129x256xf32>, vector<192x256xf32> -> vector<192x256xf32>
    %iota3A_61 = tpu.iota {dimensions = array<i32: 0>} : vector<4x192xi32>
    %broadcast_in_dim3A_62 = vector.shape_cast %get3A_38 : vector<1x192xi32> to vector<1x192xi32>
    %broadcast_in_dim3A_63 = vector.broadcast %broadcast_in_dim3A_62 : vector<1x192xi32> to vector<4x192xi32>
    %eq3A_64 = arith.cmpi eq, %iota3A_61, %broadcast_in_dim3A_63 : vector<4x192xi32>
    %convert_element_type3A_65 = arith.extui %eq3A_64 : vector<4x192xi1> to vector<4x192xi32>
    %convert_element_type3A_66 = arith.sitofp %convert_element_type3A_65 : vector<4x192xi32> to vector<4x192xf32>
    %get3A_67 = arith.constant 0 : index
    %get3A_68 = arith.constant 0 : index
    %get3A_69 = vector.load %arg29[%get3A_67, %get3A_68] : memref<4x256xf32, #tpu.memory_space<vmem>>, vector<4x256xf32>
    %dot_general3A_70 = arith.constant dense<0.000000e+00> : vector<192x256xf32>
    %dot_general3A_71 = tpu.matmul %convert_element_type3A_66, %get3A_69, %dot_general3A_70 {dimension_numbers = #tpu.dot_dimension_numbers<[0], [0], [1], [1], [0, 1, 1, 1], [], []>, transpose_lhs_hint = false} : vector<4x192xf32>, vector<4x256xf32>, vector<192x256xf32> -> vector<192x256xf32>
    %get3A_72 = arith.constant 2 : index
    %get3A_73 = arith.constant 0 : index
    %get3A_74 = arith.constant 0 : index
    %get3A_75 = vector.load %arg3[%get3A_72, %get3A_73, %get3A_74] : memref<4x1x192xi32, #tpu.memory_space<vmem>>, vector<1x1x192xi32>
    %get3A_76 = vector.shape_cast %get3A_75 : vector<1x1x192xi32> to vector<1x192xi32>
    %get3A_77 = arith.constant 2 : index
    %get3A_78 = arith.constant 0 : index
    %get3A_79 = arith.constant 0 : index
    %get3A_80 = vector.load %arg4[%get3A_77, %get3A_78, %get3A_79] : memref<4x1x192xi32, #tpu.memory_space<vmem>>, vector<1x1x192xi32>
    %get3A_81 = vector.shape_cast %get3A_80 : vector<1x1x192xi32> to vector<1x192xi32>
    %max3A_82 = arith.constant 0 : i32
    %max3A_83 = vector.broadcast %max3A_82 : i32 to vector<1x192xi32>
    %max3A_84 = arith.maxsi %get3A_81, %max3A_83 : vector<1x192xi32>
    %min3A_85 = arith.constant 128 : i32
    %min3A_86 = vector.broadcast %min3A_85 : i32 to vector<1x192xi32>
    %min3A_87 = arith.minsi %max3A_84, %min3A_86 : vector<1x192xi32>
    %iota3A_88 = tpu.iota {dimensions = array<i32: 0>} : vector<129x192xi32>
    %broadcast_in_dim3A_89 = vector.shape_cast %min3A_87 : vector<1x192xi32> to vector<1x192xi32>
    %broadcast_in_dim3A_90 = vector.broadcast %broadcast_in_dim3A_89 : vector<1x192xi32> to vector<129x192xi32>
    %eq3A_91 = arith.cmpi eq, %iota3A_88, %broadcast_in_dim3A_90 : vector<129x192xi32>
    %convert_element_type3A_92 = arith.extui %eq3A_91 : vector<129x192xi1> to vector<129x192xi32>
    %convert_element_type3A_93 = arith.sitofp %convert_element_type3A_92 : vector<129x192xi32> to vector<129x192xf32>
    %get3A_94 = arith.constant 0 : index
    %get3A_95 = arith.constant 0 : index
    %get3A_96 = vector.load %arg28[%get3A_94, %get3A_95] : memref<129x256xf32, #tpu.memory_space<vmem>>, vector<129x256xf32>
    %dot_general3A_97 = arith.constant dense<0.000000e+00> : vector<192x256xf32>
    %dot_general3A_98 = tpu.matmul %convert_element_type3A_93, %get3A_96, %dot_general3A_97 {dimension_numbers = #tpu.dot_dimension_numbers<[0], [0], [1], [1], [0, 1, 1, 1], [], []>, transpose_lhs_hint = false} : vector<129x192xf32>, vector<129x256xf32>, vector<192x256xf32> -> vector<192x256xf32>
    %iota3A_99 = tpu.iota {dimensions = array<i32: 0>} : vector<4x192xi32>
    %broadcast_in_dim3A_100 = vector.shape_cast %get3A_76 : vector<1x192xi32> to vector<1x192xi32>
    %broadcast_in_dim3A_101 = vector.broadcast %broadcast_in_dim3A_100 : vector<1x192xi32> to vector<4x192xi32>
    %eq3A_102 = arith.cmpi eq, %iota3A_99, %broadcast_in_dim3A_101 : vector<4x192xi32>
    %convert_element_type3A_103 = arith.extui %eq3A_102 : vector<4x192xi1> to vector<4x192xi32>
    %convert_element_type3A_104 = arith.sitofp %convert_element_type3A_103 : vector<4x192xi32> to vector<4x192xf32>
    %get3A_105 = arith.constant 0 : index
    %get3A_106 = arith.constant 0 : index
    %get3A_107 = vector.load %arg29[%get3A_105, %get3A_106] : memref<4x256xf32, #tpu.memory_space<vmem>>, vector<4x256xf32>
    %dot_general3A_108 = arith.constant dense<0.000000e+00> : vector<192x256xf32>
    %dot_general3A_109 = tpu.matmul %convert_element_type3A_104, %get3A_107, %dot_general3A_108 {dimension_numbers = #tpu.dot_dimension_numbers<[0], [0], [1], [1], [0, 1, 1, 1], [], []>, transpose_lhs_hint = false} : vector<4x192xf32>, vector<4x256xf32>, vector<192x256xf32> -> vector<192x256xf32>
    %get3A_110 = arith.constant 3 : index
    %get3A_111 = arith.constant 0 : index
    %get3A_112 = arith.constant 0 : index
    %get3A_113 = vector.load %arg3[%get3A_110, %get3A_111, %get3A_112] : memref<4x1x192xi32, #tpu.memory_space<vmem>>, vector<1x1x192xi32>
    %get3A_114 = vector.shape_cast %get3A_113 : vector<1x1x192xi32> to vector<1x192xi32>
    %get3A_115 = arith.constant 3 : index
    %get3A_116 = arith.constant 0 : index
    %get3A_117 = arith.constant 0 : index
    %get3A_118 = vector.load %arg4[%get3A_115, %get3A_116, %get3A_117] : memref<4x1x192xi32, #tpu.memory_space<vmem>>, vector<1x1x192xi32>
    %get3A_119 = vector.shape_cast %get3A_118 : vector<1x1x192xi32> to vector<1x192xi32>
    %max3A_120 = arith.constant 0 : i32
    %max3A_121 = vector.broadcast %max3A_120 : i32 to vector<1x192xi32>
    %max3A_122 = arith.maxsi %get3A_119, %max3A_121 : vector<1x192xi32>
    %min3A_123 = arith.constant 128 : i32
    %min3A_124 = vector.broadcast %min3A_123 : i32 to vector<1x192xi32>
    %min3A_125 = arith.minsi %max3A_122, %min3A_124 : vector<1x192xi32>
    %iota3A_126 = tpu.iota {dimensions = array<i32: 0>} : vector<129x192xi32>
    %broadcast_in_dim3A_127 = vector.shape_cast %min3A_125 : vector<1x192xi32> to vector<1x192xi32>
    %broadcast_in_dim3A_128 = vector.broadcast %broadcast_in_dim3A_127 : vector<1x192xi32> to vector<129x192xi32>
    %eq3A_129 = arith.cmpi eq, %iota3A_126, %broadcast_in_dim3A_128 : vector<129x192xi32>
    %convert_element_type3A_130 = arith.extui %eq3A_129 : vector<129x192xi1> to vector<129x192xi32>
    %convert_element_type3A_131 = arith.sitofp %convert_element_type3A_130 : vector<129x192xi32> to vector<129x192xf32>
    %get3A_132 = arith.constant 0 : index
    %get3A_133 = arith.constant 0 : index
    %get3A_134 = vector.load %arg28[%get3A_132, %get3A_133] : memref<129x256xf32, #tpu.memory_space<vmem>>, vector<129x256xf32>
    %dot_general3A_135 = arith.constant dense<0.000000e+00> : vector<192x256xf32>
    %dot_general3A_136 = tpu.matmul %convert_element_type3A_131, %get3A_134, %dot_general3A_135 {dimension_numbers = #tpu.dot_dimension_numbers<[0], [0], [1], [1], [0, 1, 1, 1], [], []>, transpose_lhs_hint = false} : vector<129x192xf32>, vector<129x256xf32>, vector<192x256xf32> -> vector<192x256xf32>
    %iota3A_137 = tpu.iota {dimensions = array<i32: 0>} : vector<4x192xi32>
    %broadcast_in_dim3A_138 = vector.shape_cast %get3A_114 : vector<1x192xi32> to vector<1x192xi32>
    %broadcast_in_dim3A_139 = vector.broadcast %broadcast_in_dim3A_138 : vector<1x192xi32> to vector<4x192xi32>
    %eq3A_140 = arith.cmpi eq, %iota3A_137, %broadcast_in_dim3A_139 : vector<4x192xi32>
    %convert_element_type3A_141 = arith.extui %eq3A_140 : vector<4x192xi1> to vector<4x192xi32>
    %convert_element_type3A_142 = arith.sitofp %convert_element_type3A_141 : vector<4x192xi32> to vector<4x192xf32>
    %get3A_143 = arith.constant 0 : index
    %get3A_144 = arith.constant 0 : index
    %get3A_145 = vector.load %arg29[%get3A_143, %get3A_144] : memref<4x256xf32, #tpu.memory_space<vmem>>, vector<4x256xf32>
    %dot_general3A_146 = arith.constant dense<0.000000e+00> : vector<192x256xf32>
    %dot_general3A_147 = tpu.matmul %convert_element_type3A_142, %get3A_145, %dot_general3A_146 {dimension_numbers = #tpu.dot_dimension_numbers<[0], [0], [1], [1], [0, 1, 1, 1], [], []>, transpose_lhs_hint = false} : vector<4x192xf32>, vector<4x256xf32>, vector<192x256xf32> -> vector<192x256xf32>
    %concatenate3A = tpu.concatenate %dot_general3A_22, %dot_general3A_60, %dot_general3A_98, %dot_general3A_136 in 0 : vector<192x256xf32>, vector<192x256xf32>, vector<192x256xf32>, vector<192x256xf32> -> vector<768x256xf32>
    %concatenate3A_148 = tpu.concatenate %dot_general3A_33, %dot_general3A_71, %dot_general3A_109, %dot_general3A_147 in 0 : vector<192x256xf32>, vector<192x256xf32>, vector<192x256xf32>, vector<192x256xf32> -> vector<768x256xf32>
    %get3A_149 = arith.constant 0 : index
    %get3A_150 = arith.constant 0 : index
    %get3A_151 = arith.constant 0 : index
    %get3A_152 = arith.constant 0 : index
    %get3A_153 = vector.load %arg2[%get3A_149, %get3A_150, %get3A_151, %get3A_152] : memref<4x4x192x256xf32, #tpu.memory_space<vmem>>, vector<1x4x192x256xf32>
    %get3A_154 = vector.shape_cast %get3A_153 : vector<1x4x192x256xf32> to vector<4x192x256xf32>
    %reshape3A = vector.shape_cast %get3A_154 : vector<4x192x256xf32> to vector<768x256xf32>
    %get3A_155 = arith.constant 1 : index
    %get3A_156 = arith.constant 0 : index
    %get3A_157 = arith.constant 0 : index
    %get3A_158 = arith.constant 0 : index
    %get3A_159 = vector.load %arg2[%get3A_155, %get3A_156, %get3A_157, %get3A_158] : memref<4x4x192x256xf32, #tpu.memory_space<vmem>>, vector<1x4x192x256xf32>
    %get3A_160 = vector.shape_cast %get3A_159 : vector<1x4x192x256xf32> to vector<4x192x256xf32>
    %reshape3A_161 = vector.shape_cast %get3A_160 : vector<4x192x256xf32> to vector<768x256xf32>
    %get3A_162 = arith.constant 2 : index
    %get3A_163 = arith.constant 0 : index
    %get3A_164 = arith.constant 0 : index
    %get3A_165 = arith.constant 0 : index
    %get3A_166 = vector.load %arg2[%get3A_162, %get3A_163, %get3A_164, %get3A_165] : memref<4x4x192x256xf32, #tpu.memory_space<vmem>>, vector<1x4x192x256xf32>
    %get3A_167 = vector.shape_cast %get3A_166 : vector<1x4x192x256xf32> to vector<4x192x256xf32>
    %reshape3A_168 = vector.shape_cast %get3A_167 : vector<4x192x256xf32> to vector<768x256xf32>
    %get3A_169 = arith.constant 3 : index
    %get3A_170 = arith.constant 0 : index
    %get3A_171 = arith.constant 0 : index
    %get3A_172 = arith.constant 0 : index
    %get3A_173 = vector.load %arg2[%get3A_169, %get3A_170, %get3A_171, %get3A_172] : memref<4x4x192x256xf32, #tpu.memory_space<vmem>>, vector<1x4x192x256xf32>
    %get3A_174 = vector.shape_cast %get3A_173 : vector<1x4x192x256xf32> to vector<4x192x256xf32>
    %reshape3A_175 = vector.shape_cast %get3A_174 : vector<4x192x256xf32> to vector<768x256xf32>
    %reduce_sum3A = arith.constant dense<0.000000e+00> : vector<768xf32>
    %reduce_sum3A_176 = vector.multi_reduction <add>, %reshape3A, %reduce_sum3A [1] : vector<768x256xf32> to vector<768xf32>
    %broadcast_in_dim3A_177 = vector.shape_cast %reduce_sum3A_176 : vector<768xf32> to vector<768x1xf32>
    %mul3A = arith.mulf %reshape3A, %reshape3A : vector<768x256xf32>
    %reduce_sum3A_178 = arith.constant dense<0.000000e+00> : vector<768xf32>
    %reduce_sum3A_179 = vector.multi_reduction <add>, %mul3A, %reduce_sum3A_178 [1] : vector<768x256xf32> to vector<768xf32>
    %broadcast_in_dim3A_180 = vector.shape_cast %reduce_sum3A_179 : vector<768xf32> to vector<768x1xf32>
    %reduce_sum3A_181 = arith.constant dense<0.000000e+00> : vector<768xf32>
    %reduce_sum3A_182 = vector.multi_reduction <add>, %reshape3A_161, %reduce_sum3A_181 [1] : vector<768x256xf32> to vector<768xf32>
    %broadcast_in_dim3A_183 = vector.shape_cast %reduce_sum3A_182 : vector<768xf32> to vector<768x1xf32>
    %add3A = arith.addf %broadcast_in_dim3A_177, %broadcast_in_dim3A_183 : vector<768x1xf32>
    %mul3A_184 = arith.mulf %reshape3A_161, %reshape3A_161 : vector<768x256xf32>
    %reduce_sum3A_185 = arith.constant dense<0.000000e+00> : vector<768xf32>
    %reduce_sum3A_186 = vector.multi_reduction <add>, %mul3A_184, %reduce_sum3A_185 [1] : vector<768x256xf32> to vector<768xf32>
    %broadcast_in_dim3A_187 = vector.shape_cast %reduce_sum3A_186 : vector<768xf32> to vector<768x1xf32>
    %add3A_188 = arith.addf %broadcast_in_dim3A_180, %broadcast_in_dim3A_187 : vector<768x1xf32>
    %reduce_sum3A_189 = arith.constant dense<0.000000e+00> : vector<768xf32>
    %reduce_sum3A_190 = vector.multi_reduction <add>, %reshape3A_168, %reduce_sum3A_189 [1] : vector<768x256xf32> to vector<768xf32>
    %broadcast_in_dim3A_191 = vector.shape_cast %reduce_sum3A_190 : vector<768xf32> to vector<768x1xf32>
    %add3A_192 = arith.addf %add3A, %broadcast_in_dim3A_191 : vector<768x1xf32>
    %mul3A_193 = arith.mulf %reshape3A_168, %reshape3A_168 : vector<768x256xf32>
    %reduce_sum3A_194 = arith.constant dense<0.000000e+00> : vector<768xf32>
    %reduce_sum3A_195 = vector.multi_reduction <add>, %mul3A_193, %reduce_sum3A_194 [1] : vector<768x256xf32> to vector<768xf32>
    %broadcast_in_dim3A_196 = vector.shape_cast %reduce_sum3A_195 : vector<768xf32> to vector<768x1xf32>
    %add3A_197 = arith.addf %add3A_188, %broadcast_in_dim3A_196 : vector<768x1xf32>
    %reduce_sum3A_198 = arith.constant dense<0.000000e+00> : vector<768xf32>
    %reduce_sum3A_199 = vector.multi_reduction <add>, %reshape3A_175, %reduce_sum3A_198 [1] : vector<768x256xf32> to vector<768xf32>
    %broadcast_in_dim3A_200 = vector.shape_cast %reduce_sum3A_199 : vector<768xf32> to vector<768x1xf32>
    %add3A_201 = arith.addf %add3A_192, %broadcast_in_dim3A_200 : vector<768x1xf32>
    %mul3A_202 = arith.mulf %reshape3A_175, %reshape3A_175 : vector<768x256xf32>
    %reduce_sum3A_203 = arith.constant dense<0.000000e+00> : vector<768xf32>
    %reduce_sum3A_204 = vector.multi_reduction <add>, %mul3A_202, %reduce_sum3A_203 [1] : vector<768x256xf32> to vector<768xf32>
    %broadcast_in_dim3A_205 = vector.shape_cast %reduce_sum3A_204 : vector<768xf32> to vector<768x1xf32>
    %add3A_206 = arith.addf %add3A_197, %broadcast_in_dim3A_205 : vector<768x1xf32>
    %reduce_sum3A_207 = arith.constant dense<0.000000e+00> : vector<768xf32>
    %reduce_sum3A_208 = vector.multi_reduction <add>, %concatenate3A, %reduce_sum3A_207 [1] : vector<768x256xf32> to vector<768xf32>
    %broadcast_in_dim3A_209 = vector.shape_cast %reduce_sum3A_208 : vector<768xf32> to vector<768x1xf32>
    %add3A_210 = arith.addf %add3A_201, %broadcast_in_dim3A_209 : vector<768x1xf32>
    %mul3A_211 = arith.mulf %concatenate3A, %concatenate3A : vector<768x256xf32>
    %reduce_sum3A_212 = arith.constant dense<0.000000e+00> : vector<768xf32>
    %reduce_sum3A_213 = vector.multi_reduction <add>, %mul3A_211, %reduce_sum3A_212 [1] : vector<768x256xf32> to vector<768xf32>
    %broadcast_in_dim3A_214 = vector.shape_cast %reduce_sum3A_213 : vector<768xf32> to vector<768x1xf32>
    %add3A_215 = arith.addf %add3A_206, %broadcast_in_dim3A_214 : vector<768x1xf32>
    %reduce_sum3A_216 = arith.constant dense<0.000000e+00> : vector<768xf32>
    %reduce_sum3A_217 = vector.multi_reduction <add>, %concatenate3A_148, %reduce_sum3A_216 [1] : vector<768x256xf32> to vector<768xf32>
    %broadcast_in_dim3A_218 = vector.shape_cast %reduce_sum3A_217 : vector<768xf32> to vector<768x1xf32>
    %add3A_219 = arith.addf %add3A_210, %broadcast_in_dim3A_218 : vector<768x1xf32>
    %mul3A_220 = arith.mulf %concatenate3A_148, %concatenate3A_148 : vector<768x256xf32>
    %reduce_sum3A_221 = arith.constant dense<0.000000e+00> : vector<768xf32>
    %reduce_sum3A_222 = vector.multi_reduction <add>, %mul3A_220, %reduce_sum3A_221 [1] : vector<768x256xf32> to vector<768xf32>
    %broadcast_in_dim3A_223 = vector.shape_cast %reduce_sum3A_222 : vector<768xf32> to vector<768x1xf32>
    %add3A_224 = arith.addf %add3A_215, %broadcast_in_dim3A_223 : vector<768x1xf32>
    %mul3A_225 = arith.constant 6.51041686E-4 : f32
    %mul3A_226 = vector.broadcast %mul3A_225 : f32 to vector<768x1xf32>
    %mul3A_227 = arith.mulf %add3A_219, %mul3A_226 : vector<768x1xf32>
    %mul3A_228 = arith.constant 6.51041686E-4 : f32
    %mul3A_229 = vector.broadcast %mul3A_228 : f32 to vector<768x1xf32>
    %mul3A_230 = arith.mulf %add3A_224, %mul3A_229 : vector<768x1xf32>
    %mul3A_231 = arith.mulf %mul3A_227, %mul3A_227 : vector<768x1xf32>
    %sub3A = arith.subf %mul3A_230, %mul3A_231 : vector<768x1xf32>
    %add3A_232 = arith.constant 9.99999974E-6 : f32
    %add3A_233 = vector.broadcast %add3A_232 : f32 to vector<768x1xf32>
    %add3A_234 = arith.addf %sub3A, %add3A_233 : vector<768x1xf32>
    %rsqrt3A = math.rsqrt %add3A_234 : vector<768x1xf32>
    %sub3A_235 = vector.broadcast %mul3A_227 : vector<768x1xf32> to vector<768x256xf32>
    %sub3A_236 = arith.subf %reshape3A, %sub3A_235 : vector<768x256xf32>
    %mul3A_237 = vector.broadcast %rsqrt3A : vector<768x1xf32> to vector<768x256xf32>
    %mul3A_238 = arith.mulf %sub3A_236, %mul3A_237 : vector<768x256xf32>
    %get3A_239 = arith.constant 0 : index
    %get3A_240 = arith.constant 0 : index
    %get3A_241 = arith.constant 0 : index
    %get3A_242 = vector.load %arg22[%get3A_239, %get3A_240, %get3A_241] : memref<6x1x256xf32, #tpu.memory_space<vmem>>, vector<1x1x256xf32>
    %get3A_243 = vector.shape_cast %get3A_242 : vector<1x1x256xf32> to vector<1x256xf32>
    %mul3A_244 = vector.broadcast %get3A_243 : vector<1x256xf32> to vector<768x256xf32>
    %mul3A_245 = arith.mulf %mul3A_238, %mul3A_244 : vector<768x256xf32>
    %get3A_246 = arith.constant 0 : index
    %get3A_247 = arith.constant 0 : index
    %get3A_248 = arith.constant 0 : index
    %get3A_249 = vector.load %arg23[%get3A_246, %get3A_247, %get3A_248] : memref<6x1x256xf32, #tpu.memory_space<vmem>>, vector<1x1x256xf32>
    %get3A_250 = vector.shape_cast %get3A_249 : vector<1x1x256xf32> to vector<1x256xf32>
    %add3A_251 = vector.broadcast %get3A_250 : vector<1x256xf32> to vector<768x256xf32>
    %add3A_252 = arith.addf %mul3A_245, %add3A_251 : vector<768x256xf32>
    %convert_element_type3A_253 = arith.truncf %add3A_252 : vector<768x256xf32> to vector<768x256xbf16>
    %get3A_254 = arith.constant 0 : index
    %get3A_255 = arith.constant 0 : index
    %get3A_256 = arith.constant 0 : index
    %get3A_257 = vector.load %arg24[%get3A_254, %get3A_255, %get3A_256] : memref<6x256x1024xf32, #tpu.memory_space<vmem>>, vector<1x256x1024xf32>
    %get3A_258 = vector.shape_cast %get3A_257 : vector<1x256x1024xf32> to vector<256x1024xf32>
    %convert_element_type3A_259 = arith.truncf %get3A_258 : vector<256x1024xf32> to vector<256x1024xbf16>
    %dot_general3A_260 = arith.constant dense<0.000000e+00> : vector<768x1024xf32>
    %dot_general3A_261 = tpu.matmul %convert_element_type3A_253, %convert_element_type3A_259, %dot_general3A_260 {dimension_numbers = #tpu.dot_dimension_numbers<[1], [0], [0], [1], [0, 0, 1, 1], [], []>, transpose_lhs_hint = false} : vector<768x256xbf16>, vector<256x1024xbf16>, vector<768x1024xf32> -> vector<768x1024xf32>
    %sub3A_262 = vector.broadcast %mul3A_227 : vector<768x1xf32> to vector<768x256xf32>
    %sub3A_263 = arith.subf %reshape3A_161, %sub3A_262 : vector<768x256xf32>
    %mul3A_264 = vector.broadcast %rsqrt3A : vector<768x1xf32> to vector<768x256xf32>
    %mul3A_265 = arith.mulf %sub3A_263, %mul3A_264 : vector<768x256xf32>
    %get3A_266 = arith.constant 1 : index
    %get3A_267 = arith.constant 0 : index
    %get3A_268 = arith.constant 0 : index
    %get3A_269 = vector.load %arg22[%get3A_266, %get3A_267, %get3A_268] : memref<6x1x256xf32, #tpu.memory_space<vmem>>, vector<1x1x256xf32>
    %get3A_270 = vector.shape_cast %get3A_269 : vector<1x1x256xf32> to vector<1x256xf32>
    %mul3A_271 = vector.broadcast %get3A_270 : vector<1x256xf32> to vector<768x256xf32>
    %mul3A_272 = arith.mulf %mul3A_265, %mul3A_271 : vector<768x256xf32>
    %get3A_273 = arith.constant 1 : index
    %get3A_274 = arith.constant 0 : index
    %get3A_275 = arith.constant 0 : index
    %get3A_276 = vector.load %arg23[%get3A_273, %get3A_274, %get3A_275] : memref<6x1x256xf32, #tpu.memory_space<vmem>>, vector<1x1x256xf32>
    %get3A_277 = vector.shape_cast %get3A_276 : vector<1x1x256xf32> to vector<1x256xf32>
    %add3A_278 = vector.broadcast %get3A_277 : vector<1x256xf32> to vector<768x256xf32>
    %add3A_279 = arith.addf %mul3A_272, %add3A_278 : vector<768x256xf32>
    %convert_element_type3A_280 = arith.truncf %add3A_279 : vector<768x256xf32> to vector<768x256xbf16>
    %get3A_281 = arith.constant 1 : index
    %get3A_282 = arith.constant 0 : index
    %get3A_283 = arith.constant 0 : index
    %get3A_284 = vector.load %arg24[%get3A_281, %get3A_282, %get3A_283] : memref<6x256x1024xf32, #tpu.memory_space<vmem>>, vector<1x256x1024xf32>
    %get3A_285 = vector.shape_cast %get3A_284 : vector<1x256x1024xf32> to vector<256x1024xf32>
    %convert_element_type3A_286 = arith.truncf %get3A_285 : vector<256x1024xf32> to vector<256x1024xbf16>
    %dot_general3A_287 = arith.constant dense<0.000000e+00> : vector<768x1024xf32>
    %dot_general3A_288 = tpu.matmul %convert_element_type3A_280, %convert_element_type3A_286, %dot_general3A_287 {dimension_numbers = #tpu.dot_dimension_numbers<[1], [0], [0], [1], [0, 0, 1, 1], [], []>, transpose_lhs_hint = false} : vector<768x256xbf16>, vector<256x1024xbf16>, vector<768x1024xf32> -> vector<768x1024xf32>
    %add3A_289 = arith.addf %dot_general3A_261, %dot_general3A_288 : vector<768x1024xf32>
    %sub3A_290 = vector.broadcast %mul3A_227 : vector<768x1xf32> to vector<768x256xf32>
    %sub3A_291 = arith.subf %reshape3A_168, %sub3A_290 : vector<768x256xf32>
    %mul3A_292 = vector.broadcast %rsqrt3A : vector<768x1xf32> to vector<768x256xf32>
    %mul3A_293 = arith.mulf %sub3A_291, %mul3A_292 : vector<768x256xf32>
    %get3A_294 = arith.constant 2 : index
    %get3A_295 = arith.constant 0 : index
    %get3A_296 = arith.constant 0 : index
    %get3A_297 = vector.load %arg22[%get3A_294, %get3A_295, %get3A_296] : memref<6x1x256xf32, #tpu.memory_space<vmem>>, vector<1x1x256xf32>
    %get3A_298 = vector.shape_cast %get3A_297 : vector<1x1x256xf32> to vector<1x256xf32>
    %mul3A_299 = vector.broadcast %get3A_298 : vector<1x256xf32> to vector<768x256xf32>
    %mul3A_300 = arith.mulf %mul3A_293, %mul3A_299 : vector<768x256xf32>
    %get3A_301 = arith.constant 2 : index
    %get3A_302 = arith.constant 0 : index
    %get3A_303 = arith.constant 0 : index
    %get3A_304 = vector.load %arg23[%get3A_301, %get3A_302, %get3A_303] : memref<6x1x256xf32, #tpu.memory_space<vmem>>, vector<1x1x256xf32>
    %get3A_305 = vector.shape_cast %get3A_304 : vector<1x1x256xf32> to vector<1x256xf32>
    %add3A_306 = vector.broadcast %get3A_305 : vector<1x256xf32> to vector<768x256xf32>
    %add3A_307 = arith.addf %mul3A_300, %add3A_306 : vector<768x256xf32>
    %convert_element_type3A_308 = arith.truncf %add3A_307 : vector<768x256xf32> to vector<768x256xbf16>
    %get3A_309 = arith.constant 2 : index
    %get3A_310 = arith.constant 0 : index
    %get3A_311 = arith.constant 0 : index
    %get3A_312 = vector.load %arg24[%get3A_309, %get3A_310, %get3A_311] : memref<6x256x1024xf32, #tpu.memory_space<vmem>>, vector<1x256x1024xf32>
    %get3A_313 = vector.shape_cast %get3A_312 : vector<1x256x1024xf32> to vector<256x1024xf32>
    %convert_element_type3A_314 = arith.truncf %get3A_313 : vector<256x1024xf32> to vector<256x1024xbf16>
    %dot_general3A_315 = arith.constant dense<0.000000e+00> : vector<768x1024xf32>
    %dot_general3A_316 = tpu.matmul %convert_element_type3A_308, %convert_element_type3A_314, %dot_general3A_315 {dimension_numbers = #tpu.dot_dimension_numbers<[1], [0], [0], [1], [0, 0, 1, 1], [], []>, transpose_lhs_hint = false} : vector<768x256xbf16>, vector<256x1024xbf16>, vector<768x1024xf32> -> vector<768x1024xf32>
    %add3A_317 = arith.addf %add3A_289, %dot_general3A_316 : vector<768x1024xf32>
    %sub3A_318 = vector.broadcast %mul3A_227 : vector<768x1xf32> to vector<768x256xf32>
    %sub3A_319 = arith.subf %reshape3A_175, %sub3A_318 : vector<768x256xf32>
    %mul3A_320 = vector.broadcast %rsqrt3A : vector<768x1xf32> to vector<768x256xf32>
    %mul3A_321 = arith.mulf %sub3A_319, %mul3A_320 : vector<768x256xf32>
    %get3A_322 = arith.constant 3 : index
    %get3A_323 = arith.constant 0 : index
    %get3A_324 = arith.constant 0 : index
    %get3A_325 = vector.load %arg22[%get3A_322, %get3A_323, %get3A_324] : memref<6x1x256xf32, #tpu.memory_space<vmem>>, vector<1x1x256xf32>
    %get3A_326 = vector.shape_cast %get3A_325 : vector<1x1x256xf32> to vector<1x256xf32>
    %mul3A_327 = vector.broadcast %get3A_326 : vector<1x256xf32> to vector<768x256xf32>
    %mul3A_328 = arith.mulf %mul3A_321, %mul3A_327 : vector<768x256xf32>
    %get3A_329 = arith.constant 3 : index
    %get3A_330 = arith.constant 0 : index
    %get3A_331 = arith.constant 0 : index
    %get3A_332 = vector.load %arg23[%get3A_329, %get3A_330, %get3A_331] : memref<6x1x256xf32, #tpu.memory_space<vmem>>, vector<1x1x256xf32>
    %get3A_333 = vector.shape_cast %get3A_332 : vector<1x1x256xf32> to vector<1x256xf32>
    %add3A_334 = vector.broadcast %get3A_333 : vector<1x256xf32> to vector<768x256xf32>
    %add3A_335 = arith.addf %mul3A_328, %add3A_334 : vector<768x256xf32>
    %convert_element_type3A_336 = arith.truncf %add3A_335 : vector<768x256xf32> to vector<768x256xbf16>
    %get3A_337 = arith.constant 3 : index
    %get3A_338 = arith.constant 0 : index
    %get3A_339 = arith.constant 0 : index
    %get3A_340 = vector.load %arg24[%get3A_337, %get3A_338, %get3A_339] : memref<6x256x1024xf32, #tpu.memory_space<vmem>>, vector<1x256x1024xf32>
    %get3A_341 = vector.shape_cast %get3A_340 : vector<1x256x1024xf32> to vector<256x1024xf32>
    %convert_element_type3A_342 = arith.truncf %get3A_341 : vector<256x1024xf32> to vector<256x1024xbf16>
    %dot_general3A_343 = arith.constant dense<0.000000e+00> : vector<768x1024xf32>
    %dot_general3A_344 = tpu.matmul %convert_element_type3A_336, %convert_element_type3A_342, %dot_general3A_343 {dimension_numbers = #tpu.dot_dimension_numbers<[1], [0], [0], [1], [0, 0, 1, 1], [], []>, transpose_lhs_hint = false} : vector<768x256xbf16>, vector<256x1024xbf16>, vector<768x1024xf32> -> vector<768x1024xf32>
    %add3A_345 = arith.addf %add3A_317, %dot_general3A_344 : vector<768x1024xf32>
    %sub3A_346 = vector.broadcast %mul3A_227 : vector<768x1xf32> to vector<768x256xf32>
    %sub3A_347 = arith.subf %concatenate3A, %sub3A_346 : vector<768x256xf32>
    %mul3A_348 = vector.broadcast %rsqrt3A : vector<768x1xf32> to vector<768x256xf32>
    %mul3A_349 = arith.mulf %sub3A_347, %mul3A_348 : vector<768x256xf32>
    %get3A_350 = arith.constant 4 : index
    %get3A_351 = arith.constant 0 : index
    %get3A_352 = arith.constant 0 : index
    %get3A_353 = vector.load %arg22[%get3A_350, %get3A_351, %get3A_352] : memref<6x1x256xf32, #tpu.memory_space<vmem>>, vector<1x1x256xf32>
    %get3A_354 = vector.shape_cast %get3A_353 : vector<1x1x256xf32> to vector<1x256xf32>
    %mul3A_355 = vector.broadcast %get3A_354 : vector<1x256xf32> to vector<768x256xf32>
    %mul3A_356 = arith.mulf %mul3A_349, %mul3A_355 : vector<768x256xf32>
    %get3A_357 = arith.constant 4 : index
    %get3A_358 = arith.constant 0 : index
    %get3A_359 = arith.constant 0 : index
    %get3A_360 = vector.load %arg23[%get3A_357, %get3A_358, %get3A_359] : memref<6x1x256xf32, #tpu.memory_space<vmem>>, vector<1x1x256xf32>
    %get3A_361 = vector.shape_cast %get3A_360 : vector<1x1x256xf32> to vector<1x256xf32>
    %add3A_362 = vector.broadcast %get3A_361 : vector<1x256xf32> to vector<768x256xf32>
    %add3A_363 = arith.addf %mul3A_356, %add3A_362 : vector<768x256xf32>
    %convert_element_type3A_364 = arith.truncf %add3A_363 : vector<768x256xf32> to vector<768x256xbf16>
    %get3A_365 = arith.constant 4 : index
    %get3A_366 = arith.constant 0 : index
    %get3A_367 = arith.constant 0 : index
    %get3A_368 = vector.load %arg24[%get3A_365, %get3A_366, %get3A_367] : memref<6x256x1024xf32, #tpu.memory_space<vmem>>, vector<1x256x1024xf32>
    %get3A_369 = vector.shape_cast %get3A_368 : vector<1x256x1024xf32> to vector<256x1024xf32>
    %convert_element_type3A_370 = arith.truncf %get3A_369 : vector<256x1024xf32> to vector<256x1024xbf16>
    %dot_general3A_371 = arith.constant dense<0.000000e+00> : vector<768x1024xf32>
    %dot_general3A_372 = tpu.matmul %convert_element_type3A_364, %convert_element_type3A_370, %dot_general3A_371 {dimension_numbers = #tpu.dot_dimension_numbers<[1], [0], [0], [1], [0, 0, 1, 1], [], []>, transpose_lhs_hint = false} : vector<768x256xbf16>, vector<256x1024xbf16>, vector<768x1024xf32> -> vector<768x1024xf32>
    %add3A_373 = arith.addf %add3A_345, %dot_general3A_372 : vector<768x1024xf32>
    %sub3A_374 = vector.broadcast %mul3A_227 : vector<768x1xf32> to vector<768x256xf32>
    %sub3A_375 = arith.subf %concatenate3A_148, %sub3A_374 : vector<768x256xf32>
    %mul3A_376 = vector.broadcast %rsqrt3A : vector<768x1xf32> to vector<768x256xf32>
    %mul3A_377 = arith.mulf %sub3A_375, %mul3A_376 : vector<768x256xf32>
    %get3A_378 = arith.constant 5 : index
    %get3A_379 = arith.constant 0 : index
    %get3A_380 = arith.constant 0 : index
    %get3A_381 = vector.load %arg22[%get3A_378, %get3A_379, %get3A_380] : memref<6x1x256xf32, #tpu.memory_space<vmem>>, vector<1x1x256xf32>
    %get3A_382 = vector.shape_cast %get3A_381 : vector<1x1x256xf32> to vector<1x256xf32>
    %mul3A_383 = vector.broadcast %get3A_382 : vector<1x256xf32> to vector<768x256xf32>
    %mul3A_384 = arith.mulf %mul3A_377, %mul3A_383 : vector<768x256xf32>
    %get3A_385 = arith.constant 5 : index
    %get3A_386 = arith.constant 0 : index
    %get3A_387 = arith.constant 0 : index
    %get3A_388 = vector.load %arg23[%get3A_385, %get3A_386, %get3A_387] : memref<6x1x256xf32, #tpu.memory_space<vmem>>, vector<1x1x256xf32>
    %get3A_389 = vector.shape_cast %get3A_388 : vector<1x1x256xf32> to vector<1x256xf32>
    %add3A_390 = vector.broadcast %get3A_389 : vector<1x256xf32> to vector<768x256xf32>
    %add3A_391 = arith.addf %mul3A_384, %add3A_390 : vector<768x256xf32>
    %convert_element_type3A_392 = arith.truncf %add3A_391 : vector<768x256xf32> to vector<768x256xbf16>
    %get3A_393 = arith.constant 5 : index
    %get3A_394 = arith.constant 0 : index
    %get3A_395 = arith.constant 0 : index
    %get3A_396 = vector.load %arg24[%get3A_393, %get3A_394, %get3A_395] : memref<6x256x1024xf32, #tpu.memory_space<vmem>>, vector<1x256x1024xf32>
    %get3A_397 = vector.shape_cast %get3A_396 : vector<1x256x1024xf32> to vector<256x1024xf32>
    %convert_element_type3A_398 = arith.truncf %get3A_397 : vector<256x1024xf32> to vector<256x1024xbf16>
    %dot_general3A_399 = arith.constant dense<0.000000e+00> : vector<768x1024xf32>
    %dot_general3A_400 = tpu.matmul %convert_element_type3A_392, %convert_element_type3A_398, %dot_general3A_399 {dimension_numbers = #tpu.dot_dimension_numbers<[1], [0], [0], [1], [0, 0, 1, 1], [], []>, transpose_lhs_hint = false} : vector<768x256xbf16>, vector<256x1024xbf16>, vector<768x1024xf32> -> vector<768x1024xf32>
    %add3A_401 = arith.addf %add3A_373, %dot_general3A_400 : vector<768x1024xf32>
    %get3A_402 = arith.constant 0 : index
    %get3A_403 = arith.constant 0 : index
    %get3A_404 = vector.load %arg25[%get3A_402, %get3A_403] : memref<1x1024xf32, #tpu.memory_space<vmem>>, vector<1x1024xf32>
    %add3A_405 = vector.broadcast %get3A_404 : vector<1x1024xf32> to vector<768x1024xf32>
    %add3A_406 = arith.addf %add3A_401, %add3A_405 : vector<768x1024xf32>
    %logistic3A = arith.negf %add3A_406 : vector<768x1024xf32>
    %logistic3A_407 = math.exp %logistic3A : vector<768x1024xf32>
    %logistic3A_408 = arith.constant 1.000000e+00 : f32
    %logistic3A_409 = vector.broadcast %logistic3A_408 : f32 to vector<768x1024xf32>
    %logistic3A_410 = arith.addf %logistic3A_409, %logistic3A_407 : vector<768x1024xf32>
    %logistic3A_411 = arith.divf %logistic3A_409, %logistic3A_410 : vector<768x1024xf32>
    %mul3A_412 = arith.mulf %add3A_406, %logistic3A_411 : vector<768x1024xf32>
    %convert_element_type3A_413 = arith.truncf %mul3A_412 : vector<768x1024xf32> to vector<768x1024xbf16>
    %get3A_414 = arith.constant 0 : index
    %get3A_415 = arith.constant 0 : index
    %get3A_416 = vector.load %arg26[%get3A_414, %get3A_415] : memref<1024x256xf32, #tpu.memory_space<vmem>>, vector<1024x256xf32>
    %convert_element_type3A_417 = arith.truncf %get3A_416 : vector<1024x256xf32> to vector<1024x256xbf16>
    %dot_general3A_418 = arith.constant dense<0.000000e+00> : vector<768x256xf32>
    %dot_general3A_419 = tpu.matmul %convert_element_type3A_413, %convert_element_type3A_417, %dot_general3A_418 {dimension_numbers = #tpu.dot_dimension_numbers<[1], [0], [0], [1], [0, 0, 1, 1], [], []>, transpose_lhs_hint = false} : vector<768x1024xbf16>, vector<1024x256xbf16>, vector<768x256xf32> -> vector<768x256xf32>
    %get3A_420 = arith.constant 0 : index
    %get3A_421 = arith.constant 0 : index
    %get3A_422 = vector.load %arg27[%get3A_420, %get3A_421] : memref<1x256xf32, #tpu.memory_space<vmem>>, vector<1x256xf32>
    %add3A_423 = vector.broadcast %get3A_422 : vector<1x256xf32> to vector<768x256xf32>
    %add3A_424 = arith.addf %dot_general3A_419, %add3A_423 : vector<768x256xf32>
    %iota3A_425 = tpu.iota {dimensions = array<i32: 0>} : vector<192x192xi32>
    %iota3A_426 = tpu.iota {dimensions = array<i32: 1>} : vector<192x192xi32>
    %lt3A = arith.cmpi slt, %iota3A_425, %iota3A_426 : vector<192x192xi32>
    %convert_element_type3A_427 = arith.extui %lt3A : vector<192x192xi1> to vector<192x192xi32>
    %convert_element_type3A_428 = arith.sitofp %convert_element_type3A_427 : vector<192x192xi32> to vector<192x192xf32>
    %get3A_429 = arith.constant 0 : index
    %get3A_430 = arith.constant 0 : index
    %get3A_431 = arith.constant 0 : index
    %get3A_432 = vector.load %arg3[%get3A_429, %get3A_430, %get3A_431] : memref<4x1x192xi32, #tpu.memory_space<vmem>>, vector<1x1x192xi32>
    %get3A_433 = vector.shape_cast %get3A_432 : vector<1x1x192xi32> to vector<1x192xi32>
    %slice3A = vector.extract_strided_slice %add3A_424 {offsets = [0, 0], sizes = [192, 256], strides = [1, 1]} : vector<768x256xf32> to vector<192x256xf32>
    %mul3A_434 = arith.constant 4 : i32
    %mul3A_435 = arith.muli %arg0, %mul3A_434 : i32
    %add3A_436 = arith.constant 0 : i32
    %add3A_437 = arith.addi %mul3A_435, %add3A_436 : i32
    %get3A_438 = arith.index_cast %add3A_437 : i32 to index
    %get3A_439 = memref.load %arg1[%get3A_438] : memref<16xi32, #tpu.memory_space<smem>>
    %iota3A_440 = tpu.iota {dimensions = array<i32: 1>} : vector<1x192xi32>
    %roll3A = arith.constant 191 : i32
    %roll3A_441 = tpu.dynamic_rotate %get3A_433 by %roll3A dim 1 : vector<1x192xi32>, i32 -> vector<1x192xi32>
    %add3A_442 = arith.constant 1 : i32
    %add3A_443 = vector.broadcast %add3A_442 : i32 to vector<1x192xi32>
    %add3A_444 = arith.addi %iota3A_440, %add3A_443 : vector<1x192xi32>
    %lt3A_445 = vector.broadcast %get3A_439 : i32 to vector<1x192xi32>
    %lt3A_446 = arith.cmpi slt, %add3A_444, %lt3A_445 : vector<1x192xi32>
    %ne3A = arith.cmpi ne, %get3A_433, %roll3A_441 : vector<1x192xi32>
    %and3A = arith.andi %lt3A_446, %ne3A : vector<1x192xi1>
    %convert_element_type3A_447 = arith.extui %and3A : vector<1x192xi1> to vector<1x192xi32>
    %convert_element_type3A_448 = arith.sitofp %convert_element_type3A_447 : vector<1x192xi32> to vector<1x192xf32>
    %convert_element_type3A_449 = arith.extui %and3A : vector<1x192xi1> to vector<1x192xi32>
    %reduce_sum3A_450 = vector.shape_cast %convert_element_type3A_449 : vector<1x192xi32> to vector<1x1x192xi32>
    %reduce_sum3A_451 = arith.constant dense<0> : vector<1xi32>
    %reduce_sum3A_452 = vector.multi_reduction <add>, %reduce_sum3A_450, %reduce_sum3A_451 [1, 2] : vector<1x1x192xi32> to vector<1xi32>
    %reduce_sum3A_453 = vector.shape_cast %reduce_sum3A_452 : vector<1xi32> to vector<1x1x1xi32>
    %reduce_sum3A_454 = vector.extract %reduce_sum3A_453[0, 0, 0] : i32 from vector<1x1x1xi32>
    %add3A_455 = arith.addi %get3A_439, %reduce_sum3A_454 : i32
    %sub3A_456 = arith.constant 383 : i32
    %sub3A_457 = arith.subi %sub3A_456, %add3A_455 : i32
    %dot_general3A_458 = arith.constant dense<0.000000e+00> : vector<1x192xf32>
    %dot_general3A_459 = tpu.matmul %convert_element_type3A_448, %convert_element_type3A_428, %dot_general3A_458 {dimension_numbers = #tpu.dot_dimension_numbers<[1], [0], [0], [1], [0, 0, 1, 1], [], []>, transpose_lhs_hint = false} : vector<1x192xf32>, vector<192x192xf32>, vector<1x192xf32> -> vector<1x192xf32>
    %add3A_460 = vector.broadcast %sub3A_457 : i32 to vector<1x192xi32>
    %add3A_461 = arith.addi %add3A_460, %iota3A_440 : vector<1x192xi32>
    %convert_element_type3A_462 = arith.fptosi %dot_general3A_459 : vector<1x192xf32> to vector<1x192xi32>
    %add3A_463 = arith.addi %add3A_461, %convert_element_type3A_462 : vector<1x192xi32>
    %lt3A_464 = vector.broadcast %get3A_439 : i32 to vector<1x192xi32>
    %lt3A_465 = arith.cmpi slt, %iota3A_440, %lt3A_464 : vector<1x192xi32>
    %iota3A_466 = tpu.iota {dimensions = array<i32: 0>} : vector<384x192xi32>
    %broadcast_in_dim3A_467 = vector.shape_cast %add3A_463 : vector<1x192xi32> to vector<1x192xi32>
    %broadcast_in_dim3A_468 = vector.broadcast %broadcast_in_dim3A_467 : vector<1x192xi32> to vector<384x192xi32>
    %eq3A_469 = arith.cmpi eq, %iota3A_466, %broadcast_in_dim3A_468 : vector<384x192xi32>
    %broadcast_in_dim3A_470 = vector.shape_cast %lt3A_465 : vector<1x192xi1> to vector<1x192xi1>
    %broadcast_in_dim3A_471 = vector.broadcast %broadcast_in_dim3A_470 : vector<1x192xi1> to vector<384x192xi1>
    %and3A_472 = arith.andi %eq3A_469, %broadcast_in_dim3A_471 : vector<384x192xi1>
    %convert_element_type3A_473 = arith.extui %and3A_472 : vector<384x192xi1> to vector<384x192xi32>
    %convert_element_type3A_474 = arith.sitofp %convert_element_type3A_473 : vector<384x192xi32> to vector<384x192xf32>
    %convert_element_type3A_475 = arith.truncf %convert_element_type3A_474 : vector<384x192xf32> to vector<384x192xbf16>
    %convert_element_type3A_476 = arith.truncf %slice3A : vector<192x256xf32> to vector<192x256xbf16>
    %dot_general3A_477 = arith.constant dense<0.000000e+00> : vector<384x256xf32>
    %dot_general3A_478 = tpu.matmul %convert_element_type3A_475, %convert_element_type3A_476, %dot_general3A_477 {dimension_numbers = #tpu.dot_dimension_numbers<[1], [0], [0], [1], [0, 0, 1, 1], [], []>, transpose_lhs_hint = false} : vector<384x192xbf16>, vector<192x256xbf16>, vector<384x256xf32> -> vector<384x256xf32>
    %add3A_479 = arith.constant 1 : i32
    %add3A_480 = vector.broadcast %add3A_479 : i32 to vector<384x192xi32>
    %add3A_481 = arith.addi %broadcast_in_dim3A_468, %add3A_480 : vector<384x192xi32>
    %eq3A_482 = arith.cmpi eq, %iota3A_466, %add3A_481 : vector<384x192xi32>
    %broadcast_in_dim3A_483 = vector.shape_cast %and3A : vector<1x192xi1> to vector<1x192xi1>
    %broadcast_in_dim3A_484 = vector.broadcast %broadcast_in_dim3A_483 : vector<1x192xi1> to vector<384x192xi1>
    %and3A_485 = arith.andi %eq3A_482, %broadcast_in_dim3A_484 : vector<384x192xi1>
    %convert_element_type3A_486 = arith.extui %and3A_485 : vector<384x192xi1> to vector<384x192xi32>
    %convert_element_type3A_487 = arith.sitofp %convert_element_type3A_486 : vector<384x192xi32> to vector<384x192xf32>
    %reduce_sum3A_488 = arith.constant dense<0.000000e+00> : vector<384xf32>
    %reduce_sum3A_489 = vector.multi_reduction <add>, %convert_element_type3A_487, %reduce_sum3A_488 [1] : vector<384x192xf32> to vector<384xf32>
    %broadcast_in_dim3A_490 = vector.shape_cast %reduce_sum3A_489 : vector<384xf32> to vector<384x1xf32>
    %get3A_491 = arith.constant 0 : index
    %get3A_492 = arith.constant 0 : index
    %get3A_493 = vector.load %arg31[%get3A_491, %get3A_492] : memref<1x256xf32, #tpu.memory_space<vmem>>, vector<1x256xf32>
    %mul3A_494 = vector.broadcast %broadcast_in_dim3A_490 : vector<384x1xf32> to vector<384x256xf32>
    %mul3A_495 = vector.broadcast %get3A_493 : vector<1x256xf32> to vector<384x256xf32>
    %mul3A_496 = arith.mulf %mul3A_494, %mul3A_495 : vector<384x256xf32>
    %add3A_497 = arith.addf %dot_general3A_478, %mul3A_496 : vector<384x256xf32>
    %iota3A_498 = tpu.iota {dimensions = array<i32: 0>} : vector<384x1xi32>
    %ge3A = vector.broadcast %sub3A_457 : i32 to vector<384x1xi32>
    %ge3A_499 = arith.cmpi sge, %iota3A_498, %ge3A : vector<384x1xi32>
    %convert_element_type3A_500 = arith.extui %ge3A_499 : vector<384x1xi1> to vector<384x1xi32>
    %convert_element_type3A_501 = arith.sitofp %convert_element_type3A_500 : vector<384x1xi32> to vector<384x1xf32>
    %slice3A_502 = vector.extract_strided_slice %add3A_497 {offsets = [0, 0], sizes = [383, 256], strides = [1, 1]} : vector<384x256xf32> to vector<383x256xf32>
    %get3A_503 = arith.constant 0 : index
    %get3A_504 = arith.constant 0 : index
    %get3A_505 = vector.load %arg30[%get3A_503, %get3A_504] : memref<383x256xf32, #tpu.memory_space<vmem>>, vector<383x256xf32>
    %add3A_506 = arith.addf %slice3A_502, %get3A_505 : vector<383x256xf32>
    %slice3A_507 = vector.extract_strided_slice %convert_element_type3A_501 {offsets = [0, 0], sizes = [383, 1], strides = [1, 1]} : vector<384x1xf32> to vector<383x1xf32>
    %mul3A_508 = vector.broadcast %slice3A_507 : vector<383x1xf32> to vector<383x256xf32>
    %mul3A_509 = arith.mulf %add3A_506, %mul3A_508 : vector<383x256xf32>
    %mul3A_510 = arith.constant 4 : i32
    %mul3A_511 = arith.muli %arg0, %mul3A_510 : i32
    %add3A_512 = arith.constant 0 : i32
    %add3A_513 = arith.addi %mul3A_511, %add3A_512 : i32
    %get3A_514 = arith.constant 0 : index
    %get3A_515 = arith.index_cast %add3A_513 : i32 to index
    %get3A_516 = arith.constant 0 : index
    %get3A_517 = vector.load %arg34[%get3A_514, %get3A_515, %get3A_516] : memref<8x16x256xf32, #tpu.memory_space<vmem>>, vector<8x1x256xf32>
    %reshape3A_518 = vector.shape_cast %get3A_517 : vector<8x1x256xf32> to vector<8x256xf32>
    %concatenate3A_519 = tpu.concatenate %reshape3A_518, %mul3A_509 in 0 : vector<8x256xf32>, vector<383x256xf32> -> vector<391x256xf32>
    %swap3A = arith.constant 0 : index
    %swap3A_520 = arith.constant 0 : index
    %swap3A_521 = arith.constant 0 : index
    %swap3A_522 = vector.load %arg32[%swap3A, %swap3A_520, %swap3A_521] : memref<4x391x256xf32, #tpu.memory_space<vmem>>, vector<1x391x256xf32>
    %swap3A_523 = vector.shape_cast %swap3A_522 : vector<1x391x256xf32> to vector<391x256xf32>
    %swap3A_524 = vector.shape_cast %concatenate3A_519 : vector<391x256xf32> to vector<1x391x256xf32>
    tpu.vector_store %arg32[%swap3A, %swap3A_520, %swap3A_521], %swap3A_524 {strides = array<i32>} : memref<4x391x256xf32, #tpu.memory_space<vmem>>, vector<1x391x256xf32>,
    %iota3A_525 = tpu.iota {dimensions = array<i32: 1>} : vector<1x391xi32>
    %lt3A_526 = arith.constant 8 : i32
    %lt3A_527 = vector.broadcast %lt3A_526 : i32 to vector<1x391xi32>
    %lt3A_528 = arith.cmpi slt, %iota3A_525, %lt3A_527 : vector<1x391xi32>
    %add3A_529 = arith.constant 8 : i32
    %add3A_530 = arith.addi %sub3A_457, %add3A_529 : i32
    %ge3A_531 = vector.broadcast %add3A_530 : i32 to vector<1x391xi32>
    %ge3A_532 = arith.cmpi sge, %iota3A_525, %ge3A_531 : vector<1x391xi32>
    %or3A = arith.ori %lt3A_528, %ge3A_532 : vector<1x391xi1>
    %convert_element_type3A_533 = arith.extui %or3A : vector<1x391xi1> to vector<1x391xi32>
    %swap3A_534 = arith.constant 0 : index
    %swap3A_535 = arith.constant 0 : index
    %swap3A_536 = arith.constant 0 : index
    %swap3A_537 = vector.load %arg33[%swap3A_534, %swap3A_535, %swap3A_536] : memref<4x1x391xi32, #tpu.memory_space<vmem>>, vector<1x1x391xi32>
    %swap3A_538 = vector.shape_cast %swap3A_537 : vector<1x1x391xi32> to vector<1x391xi32>
    %swap3A_539 = vector.shape_cast %convert_element_type3A_533 : vector<1x391xi32> to vector<1x1x391xi32>
    tpu.vector_store %arg33[%swap3A_534, %swap3A_535, %swap3A_536], %swap3A_539 {strides = array<i32>} : memref<4x1x391xi32, #tpu.memory_space<vmem>>, vector<1x1x391xi32>,
    %get3A_540 = arith.constant 1 : index
    %get3A_541 = arith.constant 0 : index
    %get3A_542 = arith.constant 0 : index
    %get3A_543 = vector.load %arg3[%get3A_540, %get3A_541, %get3A_542] : memref<4x1x192xi32, #tpu.memory_space<vmem>>, vector<1x1x192xi32>
    %get3A_544 = vector.shape_cast %get3A_543 : vector<1x1x192xi32> to vector<1x192xi32>
    %slice3A_545 = vector.extract_strided_slice %add3A_424 {offsets = [192, 0], sizes = [192, 256], strides = [1, 1]} : vector<768x256xf32> to vector<192x256xf32>
    %mul3A_546 = arith.constant 4 : i32
    %mul3A_547 = arith.muli %arg0, %mul3A_546 : i32
    %add3A_548 = arith.constant 1 : i32
    %add3A_549 = arith.addi %mul3A_547, %add3A_548 : i32
    %get3A_550 = arith.index_cast %add3A_549 : i32 to index
    %get3A_551 = memref.load %arg1[%get3A_550] : memref<16xi32, #tpu.memory_space<smem>>
    %iota3A_552 = tpu.iota {dimensions = array<i32: 1>} : vector<1x192xi32>
    %roll3A_553 = arith.constant 191 : i32
    %roll3A_554 = tpu.dynamic_rotate %get3A_544 by %roll3A_553 dim 1 : vector<1x192xi32>, i32 -> vector<1x192xi32>
    %add3A_555 = arith.constant 1 : i32
    %add3A_556 = vector.broadcast %add3A_555 : i32 to vector<1x192xi32>
    %add3A_557 = arith.addi %iota3A_552, %add3A_556 : vector<1x192xi32>
    %lt3A_558 = vector.broadcast %get3A_551 : i32 to vector<1x192xi32>
    %lt3A_559 = arith.cmpi slt, %add3A_557, %lt3A_558 : vector<1x192xi32>
    %ne3A_560 = arith.cmpi ne, %get3A_544, %roll3A_554 : vector<1x192xi32>
    %and3A_561 = arith.andi %lt3A_559, %ne3A_560 : vector<1x192xi1>
    %convert_element_type3A_562 = arith.extui %and3A_561 : vector<1x192xi1> to vector<1x192xi32>
    %convert_element_type3A_563 = arith.sitofp %convert_element_type3A_562 : vector<1x192xi32> to vector<1x192xf32>
    %convert_element_type3A_564 = arith.extui %and3A_561 : vector<1x192xi1> to vector<1x192xi32>
    %reduce_sum3A_565 = vector.shape_cast %convert_element_type3A_564 : vector<1x192xi32> to vector<1x1x192xi32>
    %reduce_sum3A_566 = arith.constant dense<0> : vector<1xi32>
    %reduce_sum3A_567 = vector.multi_reduction <add>, %reduce_sum3A_565, %reduce_sum3A_566 [1, 2] : vector<1x1x192xi32> to vector<1xi32>
    %reduce_sum3A_568 = vector.shape_cast %reduce_sum3A_567 : vector<1xi32> to vector<1x1x1xi32>
    %reduce_sum3A_569 = vector.extract %reduce_sum3A_568[0, 0, 0] : i32 from vector<1x1x1xi32>
    %add3A_570 = arith.addi %get3A_551, %reduce_sum3A_569 : i32
    %sub3A_571 = arith.constant 383 : i32
    %sub3A_572 = arith.subi %sub3A_571, %add3A_570 : i32
    %dot_general3A_573 = arith.constant dense<0.000000e+00> : vector<1x192xf32>
    %dot_general3A_574 = tpu.matmul %convert_element_type3A_563, %convert_element_type3A_428, %dot_general3A_573 {dimension_numbers = #tpu.dot_dimension_numbers<[1], [0], [0], [1], [0, 0, 1, 1], [], []>, transpose_lhs_hint = false} : vector<1x192xf32>, vector<192x192xf32>, vector<1x192xf32> -> vector<1x192xf32>
    %add3A_575 = vector.broadcast %sub3A_572 : i32 to vector<1x192xi32>
    %add3A_576 = arith.addi %add3A_575, %iota3A_552 : vector<1x192xi32>
    %convert_element_type3A_577 = arith.fptosi %dot_general3A_574 : vector<1x192xf32> to vector<1x192xi32>
    %add3A_578 = arith.addi %add3A_576, %convert_element_type3A_577 : vector<1x192xi32>
    %lt3A_579 = vector.broadcast %get3A_551 : i32 to vector<1x192xi32>
    %lt3A_580 = arith.cmpi slt, %iota3A_552, %lt3A_579 : vector<1x192xi32>
    %iota3A_581 = tpu.iota {dimensions = array<i32: 0>} : vector<384x192xi32>
    %broadcast_in_dim3A_582 = vector.shape_cast %add3A_578 : vector<1x192xi32> to vector<1x192xi32>
    %broadcast_in_dim3A_583 = vector.broadcast %broadcast_in_dim3A_582 : vector<1x192xi32> to vector<384x192xi32>
    %eq3A_584 = arith.cmpi eq, %iota3A_581, %broadcast_in_dim3A_583 : vector<384x192xi32>
    %broadcast_in_dim3A_585 = vector.shape_cast %lt3A_580 : vector<1x192xi1> to vector<1x192xi1>
    %broadcast_in_dim3A_586 = vector.broadcast %broadcast_in_dim3A_585 : vector<1x192xi1> to vector<384x192xi1>
    %and3A_587 = arith.andi %eq3A_584, %broadcast_in_dim3A_586 : vector<384x192xi1>
    %convert_element_type3A_588 = arith.extui %and3A_587 : vector<384x192xi1> to vector<384x192xi32>
    %convert_element_type3A_589 = arith.sitofp %convert_element_type3A_588 : vector<384x192xi32> to vector<384x192xf32>
    %convert_element_type3A_590 = arith.truncf %convert_element_type3A_589 : vector<384x192xf32> to vector<384x192xbf16>
    %convert_element_type3A_591 = arith.truncf %slice3A_545 : vector<192x256xf32> to vector<192x256xbf16>
    %dot_general3A_592 = arith.constant dense<0.000000e+00> : vector<384x256xf32>
    %dot_general3A_593 = tpu.matmul %convert_element_type3A_590, %convert_element_type3A_591, %dot_general3A_592 {dimension_numbers = #tpu.dot_dimension_numbers<[1], [0], [0], [1], [0, 0, 1, 1], [], []>, transpose_lhs_hint = false} : vector<384x192xbf16>, vector<192x256xbf16>, vector<384x256xf32> -> vector<384x256xf32>
    %add3A_594 = arith.constant 1 : i32
    %add3A_595 = vector.broadcast %add3A_594 : i32 to vector<384x192xi32>
    %add3A_596 = arith.addi %broadcast_in_dim3A_583, %add3A_595 : vector<384x192xi32>
    %eq3A_597 = arith.cmpi eq, %iota3A_581, %add3A_596 : vector<384x192xi32>
    %broadcast_in_dim3A_598 = vector.shape_cast %and3A_561 : vector<1x192xi1> to vector<1x192xi1>
    %broadcast_in_dim3A_599 = vector.broadcast %broadcast_in_dim3A_598 : vector<1x192xi1> to vector<384x192xi1>
    %and3A_600 = arith.andi %eq3A_597, %broadcast_in_dim3A_599 : vector<384x192xi1>
    %convert_element_type3A_601 = arith.extui %and3A_600 : vector<384x192xi1> to vector<384x192xi32>
    %convert_element_type3A_602 = arith.sitofp %convert_element_type3A_601 : vector<384x192xi32> to vector<384x192xf32>
    %reduce_sum3A_603 = arith.constant dense<0.000000e+00> : vector<384xf32>
    %reduce_sum3A_604 = vector.multi_reduction <add>, %convert_element_type3A_602, %reduce_sum3A_603 [1] : vector<384x192xf32> to vector<384xf32>
    %broadcast_in_dim3A_605 = vector.shape_cast %reduce_sum3A_604 : vector<384xf32> to vector<384x1xf32>
    %get3A_606 = arith.constant 0 : index
    %get3A_607 = arith.constant 0 : index
    %get3A_608 = vector.load %arg31[%get3A_606, %get3A_607] : memref<1x256xf32, #tpu.memory_space<vmem>>, vector<1x256xf32>
    %mul3A_609 = vector.broadcast %broadcast_in_dim3A_605 : vector<384x1xf32> to vector<384x256xf32>
    %mul3A_610 = vector.broadcast %get3A_608 : vector<1x256xf32> to vector<384x256xf32>
    %mul3A_611 = arith.mulf %mul3A_609, %mul3A_610 : vector<384x256xf32>
    %add3A_612 = arith.addf %dot_general3A_593, %mul3A_611 : vector<384x256xf32>
    %iota3A_613 = tpu.iota {dimensions = array<i32: 0>} : vector<384x1xi32>
    %ge3A_614 = vector.broadcast %sub3A_572 : i32 to vector<384x1xi32>
    %ge3A_615 = arith.cmpi sge, %iota3A_613, %ge3A_614 : vector<384x1xi32>
    %convert_element_type3A_616 = arith.extui %ge3A_615 : vector<384x1xi1> to vector<384x1xi32>
    %convert_element_type3A_617 = arith.sitofp %convert_element_type3A_616 : vector<384x1xi32> to vector<384x1xf32>
    %slice3A_618 = vector.extract_strided_slice %add3A_612 {offsets = [0, 0], sizes = [383, 256], strides = [1, 1]} : vector<384x256xf32> to vector<383x256xf32>
    %get3A_619 = arith.constant 0 : index
    %get3A_620 = arith.constant 0 : index
    %get3A_621 = vector.load %arg30[%get3A_619, %get3A_620] : memref<383x256xf32, #tpu.memory_space<vmem>>, vector<383x256xf32>
    %add3A_622 = arith.addf %slice3A_618, %get3A_621 : vector<383x256xf32>
    %slice3A_623 = vector.extract_strided_slice %convert_element_type3A_617 {offsets = [0, 0], sizes = [383, 1], strides = [1, 1]} : vector<384x1xf32> to vector<383x1xf32>
    %mul3A_624 = vector.broadcast %slice3A_623 : vector<383x1xf32> to vector<383x256xf32>
    %mul3A_625 = arith.mulf %add3A_622, %mul3A_624 : vector<383x256xf32>
    %mul3A_626 = arith.constant 4 : i32
    %mul3A_627 = arith.muli %arg0, %mul3A_626 : i32
    %add3A_628 = arith.constant 1 : i32
    %add3A_629 = arith.addi %mul3A_627, %add3A_628 : i32
    %get3A_630 = arith.constant 0 : index
    %get3A_631 = arith.index_cast %add3A_629 : i32 to index
    %get3A_632 = arith.constant 0 : index
    %get3A_633 = vector.load %arg34[%get3A_630, %get3A_631, %get3A_632] : memref<8x16x256xf32, #tpu.memory_space<vmem>>, vector<8x1x256xf32>
    %reshape3A_634 = vector.shape_cast %get3A_633 : vector<8x1x256xf32> to vector<8x256xf32>
    %concatenate3A_635 = tpu.concatenate %reshape3A_634, %mul3A_625 in 0 : vector<8x256xf32>, vector<383x256xf32> -> vector<391x256xf32>
    %swap3A_636 = arith.constant 1 : index
    %swap3A_637 = arith.constant 0 : index
    %swap3A_638 = arith.constant 0 : index
    %swap3A_639 = vector.load %arg32[%swap3A_636, %swap3A_637, %swap3A_638] : memref<4x391x256xf32, #tpu.memory_space<vmem>>, vector<1x391x256xf32>
    %swap3A_640 = vector.shape_cast %swap3A_639 : vector<1x391x256xf32> to vector<391x256xf32>
    %swap3A_641 = vector.shape_cast %concatenate3A_635 : vector<391x256xf32> to vector<1x391x256xf32>
    tpu.vector_store %arg32[%swap3A_636, %swap3A_637, %swap3A_638], %swap3A_641 {strides = array<i32>} : memref<4x391x256xf32, #tpu.memory_space<vmem>>, vector<1x391x256xf32>,
    %iota3A_642 = tpu.iota {dimensions = array<i32: 1>} : vector<1x391xi32>
    %lt3A_643 = arith.constant 8 : i32
    %lt3A_644 = vector.broadcast %lt3A_643 : i32 to vector<1x391xi32>
    %lt3A_645 = arith.cmpi slt, %iota3A_642, %lt3A_644 : vector<1x391xi32>
    %add3A_646 = arith.constant 8 : i32
    %add3A_647 = arith.addi %sub3A_572, %add3A_646 : i32
    %ge3A_648 = vector.broadcast %add3A_647 : i32 to vector<1x391xi32>
    %ge3A_649 = arith.cmpi sge, %iota3A_642, %ge3A_648 : vector<1x391xi32>
    %or3A_650 = arith.ori %lt3A_645, %ge3A_649 : vector<1x391xi1>
    %convert_element_type3A_651 = arith.extui %or3A_650 : vector<1x391xi1> to vector<1x391xi32>
    %swap3A_652 = arith.constant 1 : index
    %swap3A_653 = arith.constant 0 : index
    %swap3A_654 = arith.constant 0 : index
    %swap3A_655 = vector.load %arg33[%swap3A_652, %swap3A_653, %swap3A_654] : memref<4x1x391xi32, #tpu.memory_space<vmem>>, vector<1x1x391xi32>
    %swap3A_656 = vector.shape_cast %swap3A_655 : vector<1x1x391xi32> to vector<1x391xi32>
    %swap3A_657 = vector.shape_cast %convert_element_type3A_651 : vector<1x391xi32> to vector<1x1x391xi32>
    tpu.vector_store %arg33[%swap3A_652, %swap3A_653, %swap3A_654], %swap3A_657 {strides = array<i32>} : memref<4x1x391xi32, #tpu.memory_space<vmem>>, vector<1x1x391xi32>,
    %get3A_658 = arith.constant 2 : index
    %get3A_659 = arith.constant 0 : index
    %get3A_660 = arith.constant 0 : index
    %get3A_661 = vector.load %arg3[%get3A_658, %get3A_659, %get3A_660] : memref<4x1x192xi32, #tpu.memory_space<vmem>>, vector<1x1x192xi32>
    %get3A_662 = vector.shape_cast %get3A_661 : vector<1x1x192xi32> to vector<1x192xi32>
    %slice3A_663 = vector.extract_strided_slice %add3A_424 {offsets = [384, 0], sizes = [192, 256], strides = [1, 1]} : vector<768x256xf32> to vector<192x256xf32>
    %mul3A_664 = arith.constant 4 : i32
    %mul3A_665 = arith.muli %arg0, %mul3A_664 : i32
    %add3A_666 = arith.constant 2 : i32
    %add3A_667 = arith.addi %mul3A_665, %add3A_666 : i32
    %get3A_668 = arith.index_cast %add3A_667 : i32 to index
    %get3A_669 = memref.load %arg1[%get3A_668] : memref<16xi32, #tpu.memory_space<smem>>
    %iota3A_670 = tpu.iota {dimensions = array<i32: 1>} : vector<1x192xi32>
    %roll3A_671 = arith.constant 191 : i32
    %roll3A_672 = tpu.dynamic_rotate %get3A_662 by %roll3A_671 dim 1 : vector<1x192xi32>, i32 -> vector<1x192xi32>
    %add3A_673 = arith.constant 1 : i32
    %add3A_674 = vector.broadcast %add3A_673 : i32 to vector<1x192xi32>
    %add3A_675 = arith.addi %iota3A_670, %add3A_674 : vector<1x192xi32>
    %lt3A_676 = vector.broadcast %get3A_669 : i32 to vector<1x192xi32>
    %lt3A_677 = arith.cmpi slt, %add3A_675, %lt3A_676 : vector<1x192xi32>
    %ne3A_678 = arith.cmpi ne, %get3A_662, %roll3A_672 : vector<1x192xi32>
    %and3A_679 = arith.andi %lt3A_677, %ne3A_678 : vector<1x192xi1>
    %convert_element_type3A_680 = arith.extui %and3A_679 : vector<1x192xi1> to vector<1x192xi32>
    %convert_element_type3A_681 = arith.sitofp %convert_element_type3A_680 : vector<1x192xi32> to vector<1x192xf32>
    %convert_element_type3A_682 = arith.extui %and3A_679 : vector<1x192xi1> to vector<1x192xi32>
    %reduce_sum3A_683 = vector.shape_cast %convert_element_type3A_682 : vector<1x192xi32> to vector<1x1x192xi32>
    %reduce_sum3A_684 = arith.constant dense<0> : vector<1xi32>
    %reduce_sum3A_685 = vector.multi_reduction <add>, %reduce_sum3A_683, %reduce_sum3A_684 [1, 2] : vector<1x1x192xi32> to vector<1xi32>
    %reduce_sum3A_686 = vector.shape_cast %reduce_sum3A_685 : vector<1xi32> to vector<1x1x1xi32>
    %reduce_sum3A_687 = vector.extract %reduce_sum3A_686[0, 0, 0] : i32 from vector<1x1x1xi32>
    %add3A_688 = arith.addi %get3A_669, %reduce_sum3A_687 : i32
    %sub3A_689 = arith.constant 383 : i32
    %sub3A_690 = arith.subi %sub3A_689, %add3A_688 : i32
    %dot_general3A_691 = arith.constant dense<0.000000e+00> : vector<1x192xf32>
    %dot_general3A_692 = tpu.matmul %convert_element_type3A_681, %convert_element_type3A_428, %dot_general3A_691 {dimension_numbers = #tpu.dot_dimension_numbers<[1], [0], [0], [1], [0, 0, 1, 1], [], []>, transpose_lhs_hint = false} : vector<1x192xf32>, vector<192x192xf32>, vector<1x192xf32> -> vector<1x192xf32>
    %add3A_693 = vector.broadcast %sub3A_690 : i32 to vector<1x192xi32>
    %add3A_694 = arith.addi %add3A_693, %iota3A_670 : vector<1x192xi32>
    %convert_element_type3A_695 = arith.fptosi %dot_general3A_692 : vector<1x192xf32> to vector<1x192xi32>
    %add3A_696 = arith.addi %add3A_694, %convert_element_type3A_695 : vector<1x192xi32>
    %lt3A_697 = vector.broadcast %get3A_669 : i32 to vector<1x192xi32>
    %lt3A_698 = arith.cmpi slt, %iota3A_670, %lt3A_697 : vector<1x192xi32>
    %iota3A_699 = tpu.iota {dimensions = array<i32: 0>} : vector<384x192xi32>
    %broadcast_in_dim3A_700 = vector.shape_cast %add3A_696 : vector<1x192xi32> to vector<1x192xi32>
    %broadcast_in_dim3A_701 = vector.broadcast %broadcast_in_dim3A_700 : vector<1x192xi32> to vector<384x192xi32>
    %eq3A_702 = arith.cmpi eq, %iota3A_699, %broadcast_in_dim3A_701 : vector<384x192xi32>
    %broadcast_in_dim3A_703 = vector.shape_cast %lt3A_698 : vector<1x192xi1> to vector<1x192xi1>
    %broadcast_in_dim3A_704 = vector.broadcast %broadcast_in_dim3A_703 : vector<1x192xi1> to vector<384x192xi1>
    %and3A_705 = arith.andi %eq3A_702, %broadcast_in_dim3A_704 : vector<384x192xi1>
    %convert_element_type3A_706 = arith.extui %and3A_705 : vector<384x192xi1> to vector<384x192xi32>
    %convert_element_type3A_707 = arith.sitofp %convert_element_type3A_706 : vector<384x192xi32> to vector<384x192xf32>
    %convert_element_type3A_708 = arith.truncf %convert_element_type3A_707 : vector<384x192xf32> to vector<384x192xbf16>
    %convert_element_type3A_709 = arith.truncf %slice3A_663 : vector<192x256xf32> to vector<192x256xbf16>
    %dot_general3A_710 = arith.constant dense<0.000000e+00> : vector<384x256xf32>
    %dot_general3A_711 = tpu.matmul %convert_element_type3A_708, %convert_element_type3A_709, %dot_general3A_710 {dimension_numbers = #tpu.dot_dimension_numbers<[1], [0], [0], [1], [0, 0, 1, 1], [], []>, transpose_lhs_hint = false} : vector<384x192xbf16>, vector<192x256xbf16>, vector<384x256xf32> -> vector<384x256xf32>
    %add3A_712 = arith.constant 1 : i32
    %add3A_713 = vector.broadcast %add3A_712 : i32 to vector<384x192xi32>
    %add3A_714 = arith.addi %broadcast_in_dim3A_701, %add3A_713 : vector<384x192xi32>
    %eq3A_715 = arith.cmpi eq, %iota3A_699, %add3A_714 : vector<384x192xi32>
    %broadcast_in_dim3A_716 = vector.shape_cast %and3A_679 : vector<1x192xi1> to vector<1x192xi1>
    %broadcast_in_dim3A_717 = vector.broadcast %broadcast_in_dim3A_716 : vector<1x192xi1> to vector<384x192xi1>
    %and3A_718 = arith.andi %eq3A_715, %broadcast_in_dim3A_717 : vector<384x192xi1>
    %convert_element_type3A_719 = arith.extui %and3A_718 : vector<384x192xi1> to vector<384x192xi32>
    %convert_element_type3A_720 = arith.sitofp %convert_element_type3A_719 : vector<384x192xi32> to vector<384x192xf32>
    %reduce_sum3A_721 = arith.constant dense<0.000000e+00> : vector<384xf32>
    %reduce_sum3A_722 = vector.multi_reduction <add>, %convert_element_type3A_720, %reduce_sum3A_721 [1] : vector<384x192xf32> to vector<384xf32>
    %broadcast_in_dim3A_723 = vector.shape_cast %reduce_sum3A_722 : vector<384xf32> to vector<384x1xf32>
    %get3A_724 = arith.constant 0 : index
    %get3A_725 = arith.constant 0 : index
    %get3A_726 = vector.load %arg31[%get3A_724, %get3A_725] : memref<1x256xf32, #tpu.memory_space<vmem>>, vector<1x256xf32>
    %mul3A_727 = vector.broadcast %broadcast_in_dim3A_723 : vector<384x1xf32> to vector<384x256xf32>
    %mul3A_728 = vector.broadcast %get3A_726 : vector<1x256xf32> to vector<384x256xf32>
    %mul3A_729 = arith.mulf %mul3A_727, %mul3A_728 : vector<384x256xf32>
    %add3A_730 = arith.addf %dot_general3A_711, %mul3A_729 : vector<384x256xf32>
    %iota3A_731 = tpu.iota {dimensions = array<i32: 0>} : vector<384x1xi32>
    %ge3A_732 = vector.broadcast %sub3A_690 : i32 to vector<384x1xi32>
    %ge3A_733 = arith.cmpi sge, %iota3A_731, %ge3A_732 : vector<384x1xi32>
    %convert_element_type3A_734 = arith.extui %ge3A_733 : vector<384x1xi1> to vector<384x1xi32>
    %convert_element_type3A_735 = arith.sitofp %convert_element_type3A_734 : vector<384x1xi32> to vector<384x1xf32>
    %slice3A_736 = vector.extract_strided_slice %add3A_730 {offsets = [0, 0], sizes = [383, 256], strides = [1, 1]} : vector<384x256xf32> to vector<383x256xf32>
    %get3A_737 = arith.constant 0 : index
    %get3A_738 = arith.constant 0 : index
    %get3A_739 = vector.load %arg30[%get3A_737, %get3A_738] : memref<383x256xf32, #tpu.memory_space<vmem>>, vector<383x256xf32>
    %add3A_740 = arith.addf %slice3A_736, %get3A_739 : vector<383x256xf32>
    %slice3A_741 = vector.extract_strided_slice %convert_element_type3A_735 {offsets = [0, 0], sizes = [383, 1], strides = [1, 1]} : vector<384x1xf32> to vector<383x1xf32>
    %mul3A_742 = vector.broadcast %slice3A_741 : vector<383x1xf32> to vector<383x256xf32>
    %mul3A_743 = arith.mulf %add3A_740, %mul3A_742 : vector<383x256xf32>
    %mul3A_744 = arith.constant 4 : i32
    %mul3A_745 = arith.muli %arg0, %mul3A_744 : i32
    %add3A_746 = arith.constant 2 : i32
    %add3A_747 = arith.addi %mul3A_745, %add3A_746 : i32
    %get3A_748 = arith.constant 0 : index
    %get3A_749 = arith.index_cast %add3A_747 : i32 to index
    %get3A_750 = arith.constant 0 : index
    %get3A_751 = vector.load %arg34[%get3A_748, %get3A_749, %get3A_750] : memref<8x16x256xf32, #tpu.memory_space<vmem>>, vector<8x1x256xf32>
    %reshape3A_752 = vector.shape_cast %get3A_751 : vector<8x1x256xf32> to vector<8x256xf32>
    %concatenate3A_753 = tpu.concatenate %reshape3A_752, %mul3A_743 in 0 : vector<8x256xf32>, vector<383x256xf32> -> vector<391x256xf32>
    %swap3A_754 = arith.constant 2 : index
    %swap3A_755 = arith.constant 0 : index
    %swap3A_756 = arith.constant 0 : index
    %swap3A_757 = vector.load %arg32[%swap3A_754, %swap3A_755, %swap3A_756] : memref<4x391x256xf32, #tpu.memory_space<vmem>>, vector<1x391x256xf32>
    %swap3A_758 = vector.shape_cast %swap3A_757 : vector<1x391x256xf32> to vector<391x256xf32>
    %swap3A_759 = vector.shape_cast %concatenate3A_753 : vector<391x256xf32> to vector<1x391x256xf32>
    tpu.vector_store %arg32[%swap3A_754, %swap3A_755, %swap3A_756], %swap3A_759 {strides = array<i32>} : memref<4x391x256xf32, #tpu.memory_space<vmem>>, vector<1x391x256xf32>,
    %iota3A_760 = tpu.iota {dimensions = array<i32: 1>} : vector<1x391xi32>
    %lt3A_761 = arith.constant 8 : i32
    %lt3A_762 = vector.broadcast %lt3A_761 : i32 to vector<1x391xi32>
    %lt3A_763 = arith.cmpi slt, %iota3A_760, %lt3A_762 : vector<1x391xi32>
    %add3A_764 = arith.constant 8 : i32
    %add3A_765 = arith.addi %sub3A_690, %add3A_764 : i32
    %ge3A_766 = vector.broadcast %add3A_765 : i32 to vector<1x391xi32>
    %ge3A_767 = arith.cmpi sge, %iota3A_760, %ge3A_766 : vector<1x391xi32>
    %or3A_768 = arith.ori %lt3A_763, %ge3A_767 : vector<1x391xi1>
    %convert_element_type3A_769 = arith.extui %or3A_768 : vector<1x391xi1> to vector<1x391xi32>
    %swap3A_770 = arith.constant 2 : index
    %swap3A_771 = arith.constant 0 : index
    %swap3A_772 = arith.constant 0 : index
    %swap3A_773 = vector.load %arg33[%swap3A_770, %swap3A_771, %swap3A_772] : memref<4x1x391xi32, #tpu.memory_space<vmem>>, vector<1x1x391xi32>
    %swap3A_774 = vector.shape_cast %swap3A_773 : vector<1x1x391xi32> to vector<1x391xi32>
    %swap3A_775 = vector.shape_cast %convert_element_type3A_769 : vector<1x391xi32> to vector<1x1x391xi32>
    tpu.vector_store %arg33[%swap3A_770, %swap3A_771, %swap3A_772], %swap3A_775 {strides = array<i32>} : memref<4x1x391xi32, #tpu.memory_space<vmem>>, vector<1x1x391xi32>,
    %get3A_776 = arith.constant 3 : index
    %get3A_777 = arith.constant 0 : index
    %get3A_778 = arith.constant 0 : index
    %get3A_779 = vector.load %arg3[%get3A_776, %get3A_777, %get3A_778] : memref<4x1x192xi32, #tpu.memory_space<vmem>>, vector<1x1x192xi32>
    %get3A_780 = vector.shape_cast %get3A_779 : vector<1x1x192xi32> to vector<1x192xi32>
    %slice3A_781 = vector.extract_strided_slice %add3A_424 {offsets = [576, 0], sizes = [192, 256], strides = [1, 1]} : vector<768x256xf32> to vector<192x256xf32>
    %mul3A_782 = arith.constant 4 : i32
    %mul3A_783 = arith.muli %arg0, %mul3A_782 : i32
    %add3A_784 = arith.constant 3 : i32
    %add3A_785 = arith.addi %mul3A_783, %add3A_784 : i32
    %get3A_786 = arith.index_cast %add3A_785 : i32 to index
    %get3A_787 = memref.load %arg1[%get3A_786] : memref<16xi32, #tpu.memory_space<smem>>
    %iota3A_788 = tpu.iota {dimensions = array<i32: 1>} : vector<1x192xi32>
    %roll3A_789 = arith.constant 191 : i32
    %roll3A_790 = tpu.dynamic_rotate %get3A_780 by %roll3A_789 dim 1 : vector<1x192xi32>, i32 -> vector<1x192xi32>
    %add3A_791 = arith.constant 1 : i32
    %add3A_792 = vector.broadcast %add3A_791 : i32 to vector<1x192xi32>
    %add3A_793 = arith.addi %iota3A_788, %add3A_792 : vector<1x192xi32>
    %lt3A_794 = vector.broadcast %get3A_787 : i32 to vector<1x192xi32>
    %lt3A_795 = arith.cmpi slt, %add3A_793, %lt3A_794 : vector<1x192xi32>
    %ne3A_796 = arith.cmpi ne, %get3A_780, %roll3A_790 : vector<1x192xi32>
    %and3A_797 = arith.andi %lt3A_795, %ne3A_796 : vector<1x192xi1>
    %convert_element_type3A_798 = arith.extui %and3A_797 : vector<1x192xi1> to vector<1x192xi32>
    %convert_element_type3A_799 = arith.sitofp %convert_element_type3A_798 : vector<1x192xi32> to vector<1x192xf32>
    %convert_element_type3A_800 = arith.extui %and3A_797 : vector<1x192xi1> to vector<1x192xi32>
    %reduce_sum3A_801 = vector.shape_cast %convert_element_type3A_800 : vector<1x192xi32> to vector<1x1x192xi32>
    %reduce_sum3A_802 = arith.constant dense<0> : vector<1xi32>
    %reduce_sum3A_803 = vector.multi_reduction <add>, %reduce_sum3A_801, %reduce_sum3A_802 [1, 2] : vector<1x1x192xi32> to vector<1xi32>
    %reduce_sum3A_804 = vector.shape_cast %reduce_sum3A_803 : vector<1xi32> to vector<1x1x1xi32>
    %reduce_sum3A_805 = vector.extract %reduce_sum3A_804[0, 0, 0] : i32 from vector<1x1x1xi32>
    %add3A_806 = arith.addi %get3A_787, %reduce_sum3A_805 : i32
    %sub3A_807 = arith.constant 383 : i32
    %sub3A_808 = arith.subi %sub3A_807, %add3A_806 : i32
    %dot_general3A_809 = arith.constant dense<0.000000e+00> : vector<1x192xf32>
    %dot_general3A_810 = tpu.matmul %convert_element_type3A_799, %convert_element_type3A_428, %dot_general3A_809 {dimension_numbers = #tpu.dot_dimension_numbers<[1], [0], [0], [1], [0, 0, 1, 1], [], []>, transpose_lhs_hint = false} : vector<1x192xf32>, vector<192x192xf32>, vector<1x192xf32> -> vector<1x192xf32>
    %add3A_811 = vector.broadcast %sub3A_808 : i32 to vector<1x192xi32>
    %add3A_812 = arith.addi %add3A_811, %iota3A_788 : vector<1x192xi32>
    %convert_element_type3A_813 = arith.fptosi %dot_general3A_810 : vector<1x192xf32> to vector<1x192xi32>
    %add3A_814 = arith.addi %add3A_812, %convert_element_type3A_813 : vector<1x192xi32>
    %lt3A_815 = vector.broadcast %get3A_787 : i32 to vector<1x192xi32>
    %lt3A_816 = arith.cmpi slt, %iota3A_788, %lt3A_815 : vector<1x192xi32>
    %iota3A_817 = tpu.iota {dimensions = array<i32: 0>} : vector<384x192xi32>
    %broadcast_in_dim3A_818 = vector.shape_cast %add3A_814 : vector<1x192xi32> to vector<1x192xi32>
    %broadcast_in_dim3A_819 = vector.broadcast %broadcast_in_dim3A_818 : vector<1x192xi32> to vector<384x192xi32>
    %eq3A_820 = arith.cmpi eq, %iota3A_817, %broadcast_in_dim3A_819 : vector<384x192xi32>
    %broadcast_in_dim3A_821 = vector.shape_cast %lt3A_816 : vector<1x192xi1> to vector<1x192xi1>
    %broadcast_in_dim3A_822 = vector.broadcast %broadcast_in_dim3A_821 : vector<1x192xi1> to vector<384x192xi1>
    %and3A_823 = arith.andi %eq3A_820, %broadcast_in_dim3A_822 : vector<384x192xi1>
    %convert_element_type3A_824 = arith.extui %and3A_823 : vector<384x192xi1> to vector<384x192xi32>
    %convert_element_type3A_825 = arith.sitofp %convert_element_type3A_824 : vector<384x192xi32> to vector<384x192xf32>
    %convert_element_type3A_826 = arith.truncf %convert_element_type3A_825 : vector<384x192xf32> to vector<384x192xbf16>
    %convert_element_type3A_827 = arith.truncf %slice3A_781 : vector<192x256xf32> to vector<192x256xbf16>
    %dot_general3A_828 = arith.constant dense<0.000000e+00> : vector<384x256xf32>
    %dot_general3A_829 = tpu.matmul %convert_element_type3A_826, %convert_element_type3A_827, %dot_general3A_828 {dimension_numbers = #tpu.dot_dimension_numbers<[1], [0], [0], [1], [0, 0, 1, 1], [], []>, transpose_lhs_hint = false} : vector<384x192xbf16>, vector<192x256xbf16>, vector<384x256xf32> -> vector<384x256xf32>
    %add3A_830 = arith.constant 1 : i32
    %add3A_831 = vector.broadcast %add3A_830 : i32 to vector<384x192xi32>
    %add3A_832 = arith.addi %broadcast_in_dim3A_819, %add3A_831 : vector<384x192xi32>
    %eq3A_833 = arith.cmpi eq, %iota3A_817, %add3A_832 : vector<384x192xi32>
    %broadcast_in_dim3A_834 = vector.shape_cast %and3A_797 : vector<1x192xi1> to vector<1x192xi1>
    %broadcast_in_dim3A_835 = vector.broadcast %broadcast_in_dim3A_834 : vector<1x192xi1> to vector<384x192xi1>
    %and3A_836 = arith.andi %eq3A_833, %broadcast_in_dim3A_835 : vector<384x192xi1>
    %convert_element_type3A_837 = arith.extui %and3A_836 : vector<384x192xi1> to vector<384x192xi32>
    %convert_element_type3A_838 = arith.sitofp %convert_element_type3A_837 : vector<384x192xi32> to vector<384x192xf32>
    %reduce_sum3A_839 = arith.constant dense<0.000000e+00> : vector<384xf32>
    %reduce_sum3A_840 = vector.multi_reduction <add>, %convert_element_type3A_838, %reduce_sum3A_839 [1] : vector<384x192xf32> to vector<384xf32>
    %broadcast_in_dim3A_841 = vector.shape_cast %reduce_sum3A_840 : vector<384xf32> to vector<384x1xf32>
    %get3A_842 = arith.constant 0 : index
    %get3A_843 = arith.constant 0 : index
    %get3A_844 = vector.load %arg31[%get3A_842, %get3A_843] : memref<1x256xf32, #tpu.memory_space<vmem>>, vector<1x256xf32>
    %mul3A_845 = vector.broadcast %broadcast_in_dim3A_841 : vector<384x1xf32> to vector<384x256xf32>
    %mul3A_846 = vector.broadcast %get3A_844 : vector<1x256xf32> to vector<384x256xf32>
    %mul3A_847 = arith.mulf %mul3A_845, %mul3A_846 : vector<384x256xf32>
    %add3A_848 = arith.addf %dot_general3A_829, %mul3A_847 : vector<384x256xf32>
    %iota3A_849 = tpu.iota {dimensions = array<i32: 0>} : vector<384x1xi32>
    %ge3A_850 = vector.broadcast %sub3A_808 : i32 to vector<384x1xi32>
    %ge3A_851 = arith.cmpi sge, %iota3A_849, %ge3A_850 : vector<384x1xi32>
    %convert_element_type3A_852 = arith.extui %ge3A_851 : vector<384x1xi1> to vector<384x1xi32>
    %convert_element_type3A_853 = arith.sitofp %convert_element_type3A_852 : vector<384x1xi32> to vector<384x1xf32>
    %slice3A_854 = vector.extract_strided_slice %add3A_848 {offsets = [0, 0], sizes = [383, 256], strides = [1, 1]} : vector<384x256xf32> to vector<383x256xf32>
    %get3A_855 = arith.constant 0 : index
    %get3A_856 = arith.constant 0 : index
    %get3A_857 = vector.load %arg30[%get3A_855, %get3A_856] : memref<383x256xf32, #tpu.memory_space<vmem>>, vector<383x256xf32>
    %add3A_858 = arith.addf %slice3A_854, %get3A_857 : vector<383x256xf32>
    %slice3A_859 = vector.extract_strided_slice %convert_element_type3A_853 {offsets = [0, 0], sizes = [383, 1], strides = [1, 1]} : vector<384x1xf32> to vector<383x1xf32>
    %mul3A_860 = vector.broadcast %slice3A_859 : vector<383x1xf32> to vector<383x256xf32>
    %mul3A_861 = arith.mulf %add3A_858, %mul3A_860 : vector<383x256xf32>
    %mul3A_862 = arith.constant 4 : i32
    %mul3A_863 = arith.muli %arg0, %mul3A_862 : i32
    %add3A_864 = arith.constant 3 : i32
    %add3A_865 = arith.addi %mul3A_863, %add3A_864 : i32
    %get3A_866 = arith.constant 0 : index
    %get3A_867 = arith.index_cast %add3A_865 : i32 to index
    %get3A_868 = arith.constant 0 : index
    %get3A_869 = vector.load %arg34[%get3A_866, %get3A_867, %get3A_868] : memref<8x16x256xf32, #tpu.memory_space<vmem>>, vector<8x1x256xf32>
    %reshape3A_870 = vector.shape_cast %get3A_869 : vector<8x1x256xf32> to vector<8x256xf32>
    %concatenate3A_871 = tpu.concatenate %reshape3A_870, %mul3A_861 in 0 : vector<8x256xf32>, vector<383x256xf32> -> vector<391x256xf32>
    %swap3A_872 = arith.constant 3 : index
    %swap3A_873 = arith.constant 0 : index
    %swap3A_874 = arith.constant 0 : index
    %swap3A_875 = vector.load %arg32[%swap3A_872, %swap3A_873, %swap3A_874] : memref<4x391x256xf32, #tpu.memory_space<vmem>>, vector<1x391x256xf32>
    %swap3A_876 = vector.shape_cast %swap3A_875 : vector<1x391x256xf32> to vector<391x256xf32>
    %swap3A_877 = vector.shape_cast %concatenate3A_871 : vector<391x256xf32> to vector<1x391x256xf32>
    tpu.vector_store %arg32[%swap3A_872, %swap3A_873, %swap3A_874], %swap3A_877 {strides = array<i32>} : memref<4x391x256xf32, #tpu.memory_space<vmem>>, vector<1x391x256xf32>,
    %iota3A_878 = tpu.iota {dimensions = array<i32: 1>} : vector<1x391xi32>
    %lt3A_879 = arith.constant 8 : i32
    %lt3A_880 = vector.broadcast %lt3A_879 : i32 to vector<1x391xi32>
    %lt3A_881 = arith.cmpi slt, %iota3A_878, %lt3A_880 : vector<1x391xi32>
    %add3A_882 = arith.constant 8 : i32
    %add3A_883 = arith.addi %sub3A_808, %add3A_882 : i32
    %ge3A_884 = vector.broadcast %add3A_883 : i32 to vector<1x391xi32>
    %ge3A_885 = arith.cmpi sge, %iota3A_878, %ge3A_884 : vector<1x391xi32>
    %or3A_886 = arith.ori %lt3A_881, %ge3A_885 : vector<1x391xi1>
    %convert_element_type3A_887 = arith.extui %or3A_886 : vector<1x391xi1> to vector<1x391xi32>
    %swap3A_888 = arith.constant 3 : index
    %swap3A_889 = arith.constant 0 : index
    %swap3A_890 = arith.constant 0 : index
    %swap3A_891 = vector.load %arg33[%swap3A_888, %swap3A_889, %swap3A_890] : memref<4x1x391xi32, #tpu.memory_space<vmem>>, vector<1x1x391xi32>
    %swap3A_892 = vector.shape_cast %swap3A_891 : vector<1x1x391xi32> to vector<1x391xi32>
    %swap3A_893 = vector.shape_cast %convert_element_type3A_887 : vector<1x391xi32> to vector<1x1x391xi32>
    tpu.vector_store %arg33[%swap3A_888, %swap3A_889, %swap3A_890], %swap3A_893 {strides = array<i32>} : memref<4x1x391xi32, #tpu.memory_space<vmem>>, vector<1x1x391xi32>,
    return
  }
  func.func @transform_0(%arg0: i32, %arg1: memref<16xi32, #tpu.memory_space<smem>>) -> (i32, i32, i32, i32) {
    %c0_i32 = arith.constant 0 : i32
    %c0_i32_0 = arith.constant 0 : i32
    %c0_i32_1 = arith.constant 0 : i32
    %c0_i32_2 = arith.constant 0 : i32
    return %c0_i32, %arg0, %c0_i32_0, %c0_i32_1 : i32, i32, i32, i32
  }
  func.func @transform_1(%arg0: i32, %arg1: memref<16xi32, #tpu.memory_space<smem>>) -> (i32, i32, i32) {
    %c0_i32 = arith.constant 0 : i32
    %c0_i32_0 = arith.constant 0 : i32
    %c0_i32_1 = arith.constant 0 : i32
    return %arg0, %c0_i32, %c0_i32_0 : i32, i32, i32
  }
  func.func @transform_2(%arg0: i32, %arg1: memref<16xi32, #tpu.memory_space<smem>>) -> (i32, i32, i32) {
    %c0_i32 = arith.constant 0 : i32
    %c0_i32_0 = arith.constant 0 : i32
    %c0_i32_1 = arith.constant 0 : i32
    return %arg0, %c0_i32, %c0_i32_0 : i32, i32, i32
  }
  func.func @transform_3(%arg0: i32, %arg1: memref<16xi32, #tpu.memory_space<smem>>) -> (i32, i32) {
    %c0_i32 = arith.constant 0 : i32
    %c0_i32_0 = arith.constant 0 : i32
    %c0_i32_1 = arith.constant 0 : i32
    return %c0_i32, %c0_i32_0 : i32, i32
  }
  func.func @transform_4(%arg0: i32, %arg1: memref<16xi32, #tpu.memory_space<smem>>) -> (i32, i32) {
    %c0_i32 = arith.constant 0 : i32
    %c0_i32_0 = arith.constant 0 : i32
    %c0_i32_1 = arith.constant 0 : i32
    return %c0_i32, %c0_i32_0 : i32, i32
  }
  func.func @transform_5(%arg0: i32, %arg1: memref<16xi32, #tpu.memory_space<smem>>) -> (i32, i32) {
    %c0_i32 = arith.constant 0 : i32
    %c0_i32_0 = arith.constant 0 : i32
    %c0_i32_1 = arith.constant 0 : i32
    return %c0_i32, %c0_i32_0 : i32, i32
  }
  func.func @transform_6(%arg0: i32, %arg1: memref<16xi32, #tpu.memory_space<smem>>) -> (i32, i32) {
    %c0_i32 = arith.constant 0 : i32
    %c0_i32_0 = arith.constant 0 : i32
    %c0_i32_1 = arith.constant 0 : i32
    return %c0_i32, %c0_i32_0 : i32, i32
  }
  func.func @transform_7(%arg0: i32, %arg1: memref<16xi32, #tpu.memory_space<smem>>) -> (i32, i32) {
    %c0_i32 = arith.constant 0 : i32
    %c0_i32_0 = arith.constant 0 : i32
    %c0_i32_1 = arith.constant 0 : i32
    return %c0_i32, %c0_i32_0 : i32, i32
  }
  func.func @transform_8(%arg0: i32, %arg1: memref<16xi32, #tpu.memory_space<smem>>) -> (i32, i32) {
    %c0_i32 = arith.constant 0 : i32
    %c0_i32_0 = arith.constant 0 : i32
    %c0_i32_1 = arith.constant 0 : i32
    return %c0_i32, %c0_i32_0 : i32, i32
  }
  func.func @transform_9(%arg0: i32, %arg1: memref<16xi32, #tpu.memory_space<smem>>) -> (i32, i32) {
    %c0_i32 = arith.constant 0 : i32
    %c0_i32_0 = arith.constant 0 : i32
    %c0_i32_1 = arith.constant 0 : i32
    return %c0_i32, %c0_i32_0 : i32, i32
  }
  func.func @transform_10(%arg0: i32, %arg1: memref<16xi32, #tpu.memory_space<smem>>) -> (i32, i32) {
    %c0_i32 = arith.constant 0 : i32
    %c0_i32_0 = arith.constant 0 : i32
    %c0_i32_1 = arith.constant 0 : i32
    return %c0_i32, %c0_i32_0 : i32, i32
  }
  func.func @transform_11(%arg0: i32, %arg1: memref<16xi32, #tpu.memory_space<smem>>) -> (i32, i32) {
    %c0_i32 = arith.constant 0 : i32
    %c0_i32_0 = arith.constant 0 : i32
    %c0_i32_1 = arith.constant 0 : i32
    return %c0_i32, %c0_i32_0 : i32, i32
  }
  func.func @transform_12(%arg0: i32, %arg1: memref<16xi32, #tpu.memory_space<smem>>) -> (i32, i32) {
    %c0_i32 = arith.constant 0 : i32
    %c0_i32_0 = arith.constant 0 : i32
    %c0_i32_1 = arith.constant 0 : i32
    return %c0_i32, %c0_i32_0 : i32, i32
  }
  func.func @transform_13(%arg0: i32, %arg1: memref<16xi32, #tpu.memory_space<smem>>) -> (i32, i32) {
    %c0_i32 = arith.constant 0 : i32
    %c0_i32_0 = arith.constant 0 : i32
    %c0_i32_1 = arith.constant 0 : i32
    return %c0_i32, %c0_i32_0 : i32, i32
  }
  func.func @transform_14(%arg0: i32, %arg1: memref<16xi32, #tpu.memory_space<smem>>) -> (i32, i32) {
    %c0_i32 = arith.constant 0 : i32
    %c0_i32_0 = arith.constant 0 : i32
    %c0_i32_1 = arith.constant 0 : i32
    return %c0_i32, %c0_i32_0 : i32, i32
  }
  func.func @transform_15(%arg0: i32, %arg1: memref<16xi32, #tpu.memory_space<smem>>) -> (i32, i32) {
    %c0_i32 = arith.constant 0 : i32
    %c0_i32_0 = arith.constant 0 : i32
    %c0_i32_1 = arith.constant 0 : i32
    return %c0_i32, %c0_i32_0 : i32, i32
  }
  func.func @transform_16(%arg0: i32, %arg1: memref<16xi32, #tpu.memory_space<smem>>) -> (i32, i32) {
    %c0_i32 = arith.constant 0 : i32
    %c0_i32_0 = arith.constant 0 : i32
    %c0_i32_1 = arith.constant 0 : i32
    return %c0_i32, %c0_i32_0 : i32, i32
  }
  func.func @transform_17(%arg0: i32, %arg1: memref<16xi32, #tpu.memory_space<smem>>) -> (i32, i32) {
    %c0_i32 = arith.constant 0 : i32
    %c0_i32_0 = arith.constant 0 : i32
    %c0_i32_1 = arith.constant 0 : i32
    return %c0_i32, %c0_i32_0 : i32, i32
  }
  func.func @transform_18(%arg0: i32, %arg1: memref<16xi32, #tpu.memory_space<smem>>) -> (i32, i32) {
    %c0_i32 = arith.constant 0 : i32
    %c0_i32_0 = arith.constant 0 : i32
    %c0_i32_1 = arith.constant 0 : i32
    return %c0_i32, %c0_i32_0 : i32, i32
  }
  func.func @transform_19(%arg0: i32, %arg1: memref<16xi32, #tpu.memory_space<smem>>) -> (i32, i32) {
    %c0_i32 = arith.constant 0 : i32
    %c0_i32_0 = arith.constant 0 : i32
    %c0_i32_1 = arith.constant 0 : i32
    return %c0_i32, %c0_i32_0 : i32, i32
  }
  func.func @transform_20(%arg0: i32, %arg1: memref<16xi32, #tpu.memory_space<smem>>) -> (i32, i32, i32) {
    %c0_i32 = arith.constant 0 : i32
    %c0_i32_0 = arith.constant 0 : i32
    %c0_i32_1 = arith.constant 0 : i32
    %c0_i32_2 = arith.constant 0 : i32
    return %c0_i32, %c0_i32_0, %c0_i32_1 : i32, i32, i32
  }
  func.func @transform_21(%arg0: i32, %arg1: memref<16xi32, #tpu.memory_space<smem>>) -> (i32, i32, i32) {
    %c0_i32 = arith.constant 0 : i32
    %c0_i32_0 = arith.constant 0 : i32
    %c0_i32_1 = arith.constant 0 : i32
    %c0_i32_2 = arith.constant 0 : i32
    return %c0_i32, %c0_i32_0, %c0_i32_1 : i32, i32, i32
  }
  func.func @transform_22(%arg0: i32, %arg1: memref<16xi32, #tpu.memory_space<smem>>) -> (i32, i32, i32) {
    %c0_i32 = arith.constant 0 : i32
    %c0_i32_0 = arith.constant 0 : i32
    %c0_i32_1 = arith.constant 0 : i32
    %c0_i32_2 = arith.constant 0 : i32
    return %c0_i32, %c0_i32_0, %c0_i32_1 : i32, i32, i32
  }
  func.func @transform_23(%arg0: i32, %arg1: memref<16xi32, #tpu.memory_space<smem>>) -> (i32, i32) {
    %c0_i32 = arith.constant 0 : i32
    %c0_i32_0 = arith.constant 0 : i32
    %c0_i32_1 = arith.constant 0 : i32
    return %c0_i32, %c0_i32_0 : i32, i32
  }
  func.func @transform_24(%arg0: i32, %arg1: memref<16xi32, #tpu.memory_space<smem>>) -> (i32, i32) {
    %c0_i32 = arith.constant 0 : i32
    %c0_i32_0 = arith.constant 0 : i32
    %c0_i32_1 = arith.constant 0 : i32
    return %c0_i32, %c0_i32_0 : i32, i32
  }
  func.func @transform_25(%arg0: i32, %arg1: memref<16xi32, #tpu.memory_space<smem>>) -> (i32, i32) {
    %c0_i32 = arith.constant 0 : i32
    %c0_i32_0 = arith.constant 0 : i32
    %c0_i32_1 = arith.constant 0 : i32
    return %c0_i32, %c0_i32_0 : i32, i32
  }
  func.func @transform_26(%arg0: i32, %arg1: memref<16xi32, #tpu.memory_space<smem>>) -> (i32, i32) {
    %c0_i32 = arith.constant 0 : i32
    %c0_i32_0 = arith.constant 0 : i32
    %c0_i32_1 = arith.constant 0 : i32
    return %c0_i32, %c0_i32_0 : i32, i32
  }
  func.func @transform_27(%arg0: i32, %arg1: memref<16xi32, #tpu.memory_space<smem>>) -> (i32, i32) {
    %c0_i32 = arith.constant 0 : i32
    %c0_i32_0 = arith.constant 0 : i32
    %c0_i32_1 = arith.constant 0 : i32
    return %c0_i32, %c0_i32_0 : i32, i32
  }
  func.func @transform_28(%arg0: i32, %arg1: memref<16xi32, #tpu.memory_space<smem>>) -> (i32, i32) {
    %c0_i32 = arith.constant 0 : i32
    %c0_i32_0 = arith.constant 0 : i32
    %c0_i32_1 = arith.constant 0 : i32
    return %c0_i32, %c0_i32_0 : i32, i32
  }
  func.func @transform_29(%arg0: i32, %arg1: memref<16xi32, #tpu.memory_space<smem>>) -> (i32, i32) {
    %c0_i32 = arith.constant 0 : i32
    %c0_i32_0 = arith.constant 0 : i32
    %c0_i32_1 = arith.constant 0 : i32
    return %c0_i32, %c0_i32_0 : i32, i32
  }
  func.func @transform_30(%arg0: i32, %arg1: memref<16xi32, #tpu.memory_space<smem>>) -> (i32, i32, i32) {
    %c0_i32 = arith.constant 0 : i32
    %c0_i32_0 = arith.constant 0 : i32
    %c0_i32_1 = arith.constant 0 : i32
    return %arg0, %c0_i32, %c0_i32_0 : i32, i32, i32
  }
  func.func @transform_31(%arg0: i32, %arg1: memref<16xi32, #tpu.memory_space<smem>>) -> (i32, i32, i32) {
    %c0_i32 = arith.constant 0 : i32
    %c0_i32_0 = arith.constant 0 : i32
    %c0_i32_1 = arith.constant 0 : i32
    return %arg0, %c0_i32, %c0_i32_0 : i32, i32, i32
  }
}

</mosaic_0001>

<sc_bundles>
// kernel: kernel.4.cloned.1.call-start
scs
__scs_entry_jumppad:
0x0: {  	(pc) =	sbr.rel $0x88, $3  }
0x1: {  	(tag) =	ssettag $0x0;
	lr =	simm.s32 $0x1  }
0x2: {  	[smem:$0x3F7E] =	sst lr;
	_ =	strace $0xD0000000  }
0x3: {  	_ = 	snop  }
0x4: {  	_ = 	snop  }
0x5: {  	_ = 	snop  }
0x6: {  	_ = 	snop  }
0x7: {  	_ = 	snop  }
__scs_overlays_trampoline_lowered:
0x8: {  	[smem:$0x3F8D] =	sst s0  }
0x9: {  	[smem:$0x3F8E] =	sst s1  }
0xa: {  	[smem:$0x3F8F] =	sst s2  }
0xb: {  	[smem:$0x3F90] =	sst s3  }
0xc: {  	[smem:$0x3F91] =	sst s4  }
0xd: {  	[smem:$0x3F92] =	sst s5  }
0xe: {  	[smem:$0x3F93] =	sst s6  }
0xf: {  	[smem:$0x3F94] =	sst s7  }
0x10: {  	[smem:$0x3F95] =	sst s8  }
0x11: {  	[smem:$0x3F96] =	sst s9;
	s0 =	simm.s32 @!p0 $0x0  }
0x12: {  	s1 =	sld [smem:$0x3F7C];
	s0 =	simm.s32 @p0 $0x1  }
0x13: {  	[smem:$0x3F97] =	sst s0;
	s0 =	simm.s32 @!p1 $0x0  }
0x14: {  	s2 =	sld [smem:$0x3F7B];
	s0 =	simm.s32 @p1 $0x1  }
0x15: {  	[smem:$0x3F98] =	sst s0;
	s0 =	simm.s32 @!p2 $0x0  }
0x16: {  	s3 =	sld [smem:$0x3FDB];
	s0 =	simm.s32 @p2 $0x1  }
0x17: {  	s4 =	simm.s32 $0x1BF5;
	[smem:$0x3F9A] =	sst s0  }
0x18: {  	s0 =	sld [smem:$0x3F7D];
	_ =	swait.ge [sflag:s4], $0x0  }
0x19: {  	s7 =	sld [smem:$0x3F7E]  }
0x1a: {  	s8 =	sadd.s32 $0xFFFFE003, lr  }
0x1b: {  	s9 =	sadd.s32 $0xFFFFFEF7, lr;
	s5 =	simm.s32 $0xFFFFFFFF;
	p2 =	slt.u32 s8, $0xFFFFF086  }
0x1c: {  	p1 =	slt.u32 s9, $0xF7A;
	s5 =	simm.s32 @!p2 $0x0  }
0x1d: {  	s5 =	simm.s32 @p1 $0x1;
	p0 =	seq.s32 s7, s2  }
0x1e: {  	s7 =	smul.u32 @!p0 $0xF7A, s2;
	p2 =	seq.s32 @!p0 s5, $0x0  }
0x1f: {  	s9 =	smul.u32 $0xF7A, s1;
	s8 =	simm.s32 @!p0 $0x1BF5;
	p2 =	por !p2, p0  }
0x20: {  	[sflag:s8] =	ssyncset.s32 @!p0 $0xFFFFF086;
	s6 =	sadd.s32 @!p0 s3, s7;
	s7 =	simm.s32 @!p0 $0x108  }
0x21: {  	s3 =	sadd.s32 s3, s9;
	s6 =	sadd.s32 @!p0 $0x88, s6;
	s7 =	simm.s32 @p2 $0x1082  }
0x22: {  	[simem:s7], [sflag:s8] =	dma.local @!p0 [hbm:s6], $0xF7A  }
0x23: {  	s9 =	sor.u32 $0xD0000000, s2;
	s6 =	simm.s32 $0x108;
	_ =	swait.ge @!p0 [sflag:s8], $0x0  }
0x24: {  	s3 =	sadd.s32 $0x88, s3;
	s6 =	simm.s32 @!p1 $0x1082;
	[sflag:s4] =	ssyncset.s32 $0xFFFFF086  }
0x25: {  	[simem:s6], [sflag:s4] =	dma.local [hbm:s3], $0xF7A  }
0x26: {  	[smem:$0x3F7E] =	sst s1;
	(tag) =	ssettag s2;
	_ =	strace s9  }
0x27: {  	s1 =	sld [smem:$0x3F8E]  }
0x28: {  	s2 =	sld [smem:$0x3F8F]  }
0x29: {  	s4 =	sld [smem:$0x3F91]  }
0x2a: {  	p0 =	seq.s32 s5, $0x0;
	s5 =	sld [smem:$0x3F92]  }
0x2b: {  	s6 =	sld [smem:$0x3F93]  }
0x2c: {  	s7 =	sld [smem:$0x3F94]  }
0x2d: {  	s3 =	simm.s32 $0x108;
	s8 =	sld [smem:$0x3F95]  }
0x2e: {  	s3 =	simm.s32 @!p0 $0x1082;
	s9 =	sld [smem:$0x3F96]  }
0x2f: {  	lr =	sadd.s32 s0, s3;
	s0 =	sld [smem:$0x3F8D]  }
0x30: {  	s3 =	sld [smem:$0x3F90]  }
0x31: {  	[smem:$0x3F99] =	sst s10  }
0x32: {  	s10 =	sld [smem:$0x3F97];
	_ =	sdelay $0x3  }
0x33: {  	p0 =	seq.s32 s10, $0x1;
	s10 =	sld [smem:$0x3F99];
	_ =	sdelay $0x3  }
0x34: {  	[smem:$0x3F99] =	sst s10  }
0x35: {  	s10 =	sld [smem:$0x3F98];
	_ =	sdelay $0x3  }
0x36: {  	p1 =	seq.s32 s10, $0x1;
	s10 =	sld [smem:$0x3F99];
	_ =	sdelay $0x3  }
0x37: {  	[smem:$0x3F99] =	sst s10  }
0x38: {  	s10 =	sld [smem:$0x3F9A]  }
0x39: {  	_ = 	snop;
	(pc) =	sbr.ind lr, $3  }
0x3a: {  	_ = 	snop  }
0x3b: {  	_ = 	snop  }
0x3c: {  	p2 =	seq.s32 s10, $0x1;
	s10 =	sld [smem:$0x3F99]  }
0x3d: {  	_ =	shalt  }
0x3e: {  	_ =	shalt  }
0x3f: {  	_ =	shalt  }
0x40: {  	_ =	shalt  }
0x41: {  	_ =	shalt  }
0x42: {  	_ =	shalt  }
0x43: {  	_ =	shalt  }
0x44: {  	_ =	shalt  }
0x45: {  	_ =	shalt  }
0x46: {  	_ =	shalt  }
0x47: {  	_ =	shalt  }
0x48: {  	_ =	shalt  }
0x49: {  	_ =	shalt  }
0x4a: {  	_ =	shalt  }
0x4b: {  	_ =	shalt  }
0x4c: {  	_ =	shalt  }
0x4d: {  	_ =	shalt  }
0x4e: {  	_ =	shalt  }
0x4f: {  	_ =	shalt  }
0x50: {  	_ =	shalt  }
0x51: {  	_ =	shalt  }
0x52: {  	_ =	shalt  }
0x53: {  	_ =	shalt  }
0x54: {  	_ =	shalt  }
0x55: {  	_ =	shalt  }
0x56: {  	_ =	shalt  }
0x57: {  	_ =	shalt  }
0x58: {  	_ =	shalt  }
0x59: {  	_ =	shalt  }
0x5a: {  	_ =	shalt  }
0x5b: {  	_ =	shalt  }
0x5c: {  	_ =	shalt  }
0x5d: {  	_ =	shalt  }
0x5e: {  	_ =	shalt  }
0x5f: {  	_ =	shalt  }
0x60: {  	_ =	shalt  }
0x61: {  	_ =	shalt  }
0x62: {  	_ =	shalt  }
0x63: {  	_ =	shalt  }
0x64: {  	_ =	shalt  }
0x65: {  	_ =	shalt  }
0x66: {  	_ =	shalt  }
0x67: {  	_ =	shalt  }
0x68: {  	_ =	shalt  }
0x69: {  	_ =	shalt  }
0x6a: {  	_ =	shalt  }
0x6b: {  	_ =	shalt  }
0x6c: {  	_ =	shalt  }
0x6d: {  	_ =	shalt  }
0x6e: {  	_ =	shalt  }
0x6f: {  	_ =	shalt  }
0x70: {  	_ =	shalt  }
0x71: {  	_ =	shalt  }
0x72: {  	_ =	shalt  }
0x73: {  	_ =	shalt  }
0x74: {  	_ =	shalt  }
0x75: {  	_ =	shalt  }
0x76: {  	_ =	shalt  }
0x77: {  	_ =	shalt  }
0x78: {  	_ =	shalt  }
0x79: {  	_ =	shalt  }
0x7a: {  	_ =	shalt  }
0x7b: {  	_ =	shalt  }
0x7c: {  	_ =	shalt  }
0x7d: {  	_ =	shalt  }
0x7e: {  	_ =	shalt  }
0x7f: {  	_ =	shalt  }
0x80: {  	_ =	shalt  }
0x81: {  	_ =	shalt  }
0x82: {  	_ =	shalt  }
0x83: {  	_ =	shalt  }
0x84: {  	_ =	shalt  }
0x85: {  	_ =	shalt  }
0x86: {  	_ =	shalt  }
0x87: {  	_ =	shalt  }
.Lfunc_end0:
.L_simem_size_0:
called_computation_lowered:
.L_overlay_start_0:
0x88: {  	s2 =	sld [smem:$0x3FD9]  }
0x89: {  	s3 =	sld [smem:$0x3FFE];
	_ =	sdelay $0x1  }
0x8a: {  	s1 =	srdreg.scid  }
0x8b: {  	s0 =	sand.u32 $0x1, s1  }
0x8c: {  	s14 =	sshll.u32 s0, $0xA;
	s2 =	sadd.s32 s3, s2  }
0x8d: {  	s2 =	sadd.s32 s2, s14  }
0x8e: {  	[smem:$0x3FA5] =	sst s2  }
0x8f: {  	_ = 	snop  }
0x90: {  	s2 =	sld [smem:$0x3FD0];
	_ =	sdelay $0x2  }
0x91: {  	s4 =	simm.s32 $0xA;
	s5 =	simm.s32 $0x10;
	s15 =	sld [smem:$0x3FB1]  }
0x92: {  	[smem:s5], [sflag:s4] =	dma.local [hbm:s2], $0x1  }
0x93: {  	_ =	swait.eq [sflag:s4], $0x1  }
0x94: {  	[sflag:s4] =	ssyncset.done $0x0  }
0x95: {  	[sflag:s4] =	ssyncadd.s32 $0xFFFFFFFF  }
0x96: {  	s16 =	sld [smem:$0x10];
	(tm) =	ssettm $0x1  }
0x97: {  	s17 =	sld [smem:$0x3FFB];
	_ =	sdelay $0x3  }
0x98: {  	_ =	strace s17  }
0x99: {  	s4 =	sld [smem:$0x3FFC];
	_ =	sdelay $0x3  }
0x9a: {  	_ =	strace s4  }
0x9b: {  	s4 =	sld [smem:$0x3FFD];
	_ =	sdelay $0x3  }
0x9c: {  	_ =	strace s4  }
0x9d: {  	_ =	strace $0x8FFFFFFF  }
0x9e: {  	s18 =	sld [smem:$0x3FDB];
	_ =	sdelay $0x1  }
0x9f: {  	s19 =	simm.s32 $_scs_section_size  }
0xa0: {  	s6 =	simm.s32 $_size__tile_overlayer_lowered;
	s7 =	simm.s32 $_tile_overlayer_lowered  }
0xa1: {  	s22 =	simm.s32 $0x1BFF;
	s21 =	sshll.u32 s7, $0x1;
	s4 =	sadd.s32 s19, s18  }
0xa2: {  	s8 =	simm.s32 $0x0;
	s20 =	sshll.u32 s6, $0x1;
	s6 =	sadd.s32 s21, s4  }
0xa3: {  	[timem:s8], [sflag:s22] =	dma.local [hbm:s6], s20  }
0xa4: {  	_ =	swait.ge [sflag:s22], s20  }
0xa5: {  	s5 =	ssub.s32 $0x0, s20;
	[sflag:s22] =	ssyncset.done $0x0  }
0xa6: {  	[sflag:s22] =	ssyncadd.s32 s5;
	_ =	sdelay $0x1  }
0xa7: {  	s23 =	simm.s32 $0x1B8B  }
0xa8: {  	_ =	swait.ge [sflag:s23], $0x1  }
0xa9: {  	[sflag:s23] =	ssyncset.done $0x0  }
0xaa: {  	s25 =	simm.s32 $0x1B8E;
	s24 =	sld [smem:$0x3FFE];
	[sflag:s23] =	ssyncadd.s32 $0xFFFFFFFF  }
0xab: {  	s26 =	simm.s32 $execute0_lowered;
	[smem:$0x3FD2] =	sst s25  }
0xac: {  	s6 =	sshll.u32 s26, $0x1;
	_ =	strace $0x80000046;
	[dreg:$0x1] =	wrdreg $0xFFFFFFFF  }
0xad: {  	s28 =	simm.s32 $_size_execute0_lowered;
	s4 =	sadd.s32 s4, s6;
	[dreg:$0x0] =	wrdreg $0x0  }
0xae: {  	s6 =	sshll.u32 s28, $0x1;
	[dreg:$0x2] =	wrdreg s4  }
0xaf: {  	[dreg:$0x3] =	wrdreg s6  }
0xb0: {  	[dreg:$0x4] =	wrdreg $0xC0  }
0xb1: {  	_ =	task [dreg:s8], $0x5FFFF  }
0xb2: {  	[dreg:$0x1] =	wrdreg $0xFFFFFFFF  }
0xb3: {  	[dreg:$0x0] =	wrdreg $0x60  }
0xb4: {  	[dreg:$0x2] =	wrdreg s16  }
0xb5: {  	[dreg:$0x3] =	wrdreg s15  }
0xb6: {  	[dreg:$0x4] =	wrdreg s24  }
0xb7: {  	[dreg:$0x5] =	wrdreg $0x9  }
0xb8: {  	_ =	task.clear_ibuf [dreg:s8], $0x6FFFF;
	_ =	strace $0x90000046  }
0xb9: {  	s29 =	simm.s32 $0x9;
	_ =	strace $0x80000048  }
0xba: {  	_ =	swait.ge [sflag:s29], $0x1  }
0xbb: {  	[sflag:s29] =	ssyncadd.s32 $0xFFFFFFFF  }
0xbc: {  	_ =	strace $0x90000048  }
0xbd: {  	_ =	sfence  }
0xbe: {  	s30 =	sld [smem:$0x0];
	_ =	sdelay $0x2  }
0xbf: {  	s31 =	sshll.u32 s1, $0xD;
	s1 =	sshrl.u32 s1, $0x2  }
0xc0: {  	s3 =	sand.u32 $0x4000, s31;
	s1 =	sadd.s32 s1, s30  }
0xc1: {  	s0 =	sor.u32 s3, s0;
	s1 =	sshll.u32 s1, $0x11  }
0xc2: {  	s0 =	sor.u32 s1, s0  }
0xc3: {  	s0 =	sadd.s32 $0x8F2B, s0  }
0xc4: {  	[sflag:s0] =	ssyncadd.remote.s32 $0x1  }
0xc5: {  	_ =	sfence.sel $0xFFFF  }
0xc6: {  	[dreg:$0x0] =	wrdreg $0xFFFFFFFF;
	(pc) =	sbr.abs _section_cstart, $3  }
0xc7: {  	[dreg:$0x1] =	wrdreg $0xFFFFFFFF  }
0xc8: {  	_ =	task.clear_ibuf [dreg:s8], $0x2FFFF;
	_ =	strace $0x9FFFFFFF  }
0xc9: {  	(tm) =	ssettm $0x7FFFFFFF  }
tec
execute0_lowered:
.L_overlay_start_1:
0x0: {  	(tag) =	ssettag $0x1  }
0x1: {  	s1 =	srdreg.scid  }
0x2: {  	s0 =	stileid.u32;
	s4 =	rddreg [dreg:$0x0]  }
0x3: {  	s2 =	rddreg [dreg:$0x1];
	s1 =	sand.u32 $0x1, s1;
	s3 =	sshll.u32 s0, $0x1  }
0x4: {  	s6 =	rddreg [dreg:$0x2];
	s5 =	sor.u32 s1, s3;
	s3 =	simm.s32 $0x0  }
0x5: {  	s19 =	simm.s32 $0x80;
	[smem:$0x7FF] =	sst s3  }
0x6: {  	s20 =	simm.s32 $0x100;
	_ =	strace $0x80000047;
	[dreg:$0xa] =	wrdreg s19  }
0x7: {  	s21 =	simm.s32 $0x980;
	[dreg:$0xb] =	wrdreg s20  }
0x8: {  	s22 =	simm.s32 $0x1180;
	s23 =	simm.s32 $0x1980;
	[dreg:$0xc] =	wrdreg s21  }
0x9: {  	s24 =	simm.s32 $0x2180;
	s25 =	simm.s32 $0x2980;
	[dreg:$0xd] =	wrdreg s22  }
0xa: {  	s26 =	simm.s32 $0x3180;
	s11 =	simm.s32 $0x7180;
	[dreg:$0xe] =	wrdreg s23  }
0xb: {  	s12 =	simm.s32 $0x7980;
	s28 =	simm.s32 $0x3;
	[dreg:$0xf] =	wrdreg s24  }
0xc: {  	s29 =	simm.s32 $0x4;
	s30 =	simm.s32 $0x5;
	[dreg:$0x10] =	wrdreg s25  }
0xd: {  	s31 =	simm.s32 $0x6;
	s0 =	simm.s32 $0x3980;
	[dreg:$0x11] =	wrdreg s26  }
0xe: {  	s6 =	sadd.s32 $0x4000, s6;
	s7 =	smul.u32 $0x180, s5;
	[dreg:$0x12] =	wrdreg s0  }
0xf: {  	s1 =	ssub.s32 $0x2, s1;
	s5 =	smul.u32 $0x3000, s5;
	[dreg:$0x19] =	wrdreg s11  }
0x10: {  	[dreg:$0x1a] =	wrdreg s12;
	s19 =	simm.s32 $0xB980;
	s20 =	simm.s32 $0xC180  }
0x11: {  	s21 =	simm.s32 $0xC980;
	s22 =	sshrl.u32 s1, $0x1;
	[smem:$0x7F7] =	sst s19  }
0x12: {  	s23 =	simm.s32 $0xD180;
	s24 =	simm.s32 $0xD980;
	[smem:$0x7F8] =	sst s20  }
0x13: {  	s25 =	simm.s32 $0xE180;
	s26 =	simm.s32 $0xE980;
	[smem:$0x7F9] =	sst s21  }
0x14: {  	s12 =	simm.s32 $0x11180;
	s8 =	sshrl.u32 s7, $0x3;
	[smem:$0x7FA] =	sst s23  }
0x15: {  	s9 =	sadd.s32 $0x80, s7;
	s7 =	sadd.s32 $0x100, s7;
	[smem:$0x7FB] =	sst s24  }
0x16: {  	s14 =	sadd.s32 s6, s5;
	s5 =	simm.s32 $0x4180;
	[smem:$0x7FC] =	sst s25  }
0x17: {  	s1 =	ssub.s32 s1, s22;
	[smem:$0x7FD] =	sst s26;
	s19 =	simm.s32 $0x14980  }
0x18: {  	s20 =	simm.s32 $0x15180;
	s8 =	sadd.s32 s4, s8;
	[dreg:$0x7] =	wrdreg s14  }
0x19: {  	s13 =	sshrl.u32 s9, $0x3;
	s10 =	sshrl.u32 s7, $0x3;
	[dreg:$0x13] =	wrdreg s5  }
0x1a: {  	s17 =	sshll.u32 s7, $0x5;
	s7 =	simm.s32 $0x5180;
	[dreg:$0x4] =	wrdreg s8  }
0x1b: {  	s15 =	sshll.u32 s9, $0x5;
	s9 =	simm.s32 $0x6180;
	[dreg:$0x15] =	wrdreg s7  }
0x1c: {  	s21 =	simm.s32 $0x15980;
	s14 =	simm.s32 $0x9180;
	[dreg:$0x17] =	wrdreg s9  }
0x1d: {  	s22 =	simm.s32 $0x16180;
	s8 =	sadd.s32 s4, s13;
	[dreg:$0x1c] =	wrdreg s14  }
0x1e: {  	s23 =	simm.s32 $0x16980;
	s4 =	sadd.s32 s4, s10;
	[dreg:$0x5] =	wrdreg s8  }
0x1f: {  	s24 =	simm.s32 $0x17180;
	s16 =	sadd.s32 s6, s15;
	[dreg:$0x6] =	wrdreg s4  }
0x20: {  	s25 =	simm.s32 $0x17980;
	s18 =	sadd.s32 s6, s17;
	[dreg:$0x8] =	wrdreg s16  }
0x21: {  	s26 =	simm.s32 $0x2;
	s6 =	simm.s32 $0x4980;
	[dreg:$0x9] =	wrdreg s18  }
0x22: {  	s5 =	simm.s32 $0x1;
	s10 =	simm.s32 $0x6980;
	[dreg:$0x14] =	wrdreg s6  }
0x23: {  	s13 =	simm.s32 $0x8980;
	s15 =	simm.s32 $0x9980;
	[dreg:$0x18] =	wrdreg s10  }
0x24: {  	s17 =	simm.s32 $0xA980;
	s7 =	simm.s32 $0x8180;
	[dreg:$0x1b] =	wrdreg s13  }
0x25: {  	s14 =	simm.s32 $0x12180;
	s8 =	simm.s32 $0x5980;
	[dreg:$0x1d] =	wrdreg s15  }
0x26: {  	s16 =	simm.s32 $0xA180;
	[dreg:$0x1f] =	wrdreg s17;
	s18 =	simm.s32 $0xB180  }
0x27: {  	s4 =	smax.u32 s1, $0x1;
	s6 =	simm.s32 $0x180;
	s10 =	simm.s32 $0x10180  }
0x28: {  	v2 =	vlaneseq.u32;
	s13 =	simm.s32 $0x11980;
	s15 =	simm.s32 $0x12980;
	[dreg:$0x16] =	wrdreg s8  }
0x29: {  	vm0 =	vmmov $0xffff;
	v1 =	vshrl.u32 v2, $0x3;
	s17 =	simm.s32 $0x13980;
	s1 =	simm.s32 $0x7;
	[dreg:$0x1e] =	wrdreg s16  }
0x2a: {  	v0 =	vand.u32 $0x7, v2;
	v2 =	vor.u32 $0x8, v2;
	v1 =	vmul.u32 $0x8, v1;
	[smem:$0x7F6] =	sst s18;
	s16 =	simm.s32 $0x13180;
	s18 =	simm.s32 $0x14180  }
.LBB2_1:
0x2b: {  	s0 =	rddreg [dreg:$0x4]  }
0x2c: {  	s8 =	rddreg [dreg:$0xa]  }
0x2d: {  	s9 =	rddreg [dreg:$0x6]  }
0x2e: {  	[tilespmem:s3], [sflag:$0x1] =	stream.linear.gather [hbm4b:s0+s3], $0x80, $0x38;
	[tilespmem:$0x18180] =	vst v63  }
0x2f: {  	s0 =	rddreg [dreg:$0x5]  }
0x30: {  	[tilespmem:s8], [sflag:$0x1] =	stream.linear.gather [hbm4b:s0+s3], $0x80, $0x38;
	[tilespmem:$0x18180] =	vst v63  }
0x31: {  	s11 =	rddreg [dreg:$0xb]  }
0x32: {  	[tilespmem:s11], [sflag:$0x1] =	stream.linear.gather [hbm4b:s9+s3], $0x80, $0x38;
	[tilespmem:$0x18180] =	vst v63  }
0x33: {  	_ =	swait.ge [sflag:s5], $0x80  }
0x34: {  	[sflag:s5] =	ssyncset.done $0x0  }
0x35: {  	[sflag:s5] =	ssyncadd.s32 $0xFFFFFF80  }
0x36: {  	v3 =	vld [tilespmem:$0x0];
	_ =	sdelay $0x4  }
0x37: {  	v4 =	vshll.u32 v3, $0x1  }
0x38: {  	v3 =	vand.u32 $0x7, v3;
	v4 =	vand.u32 $0xFFFFFFF0, v4  }
0x39: {  	v3 =	vor.u32 v3, v4  }
0x3a: {  	v4 =	vperm.xlane v3, v0;
	_ =	sdelay $0x1  }
0x3b: {  	v3 =	vperm.xlane v3, v2;
	v4 =	vadd.s32 v1, v4;
	_ =	sdelay $0x1  }
0x3c: {  	v3 =	vadd.s32 v1, v3;
	_ =	sdelay $0x2  }
0x3d: {  	[tilespmem:s6], [sflag:$0x2] =	stream.indirect_vreg.gather [hbm4b:s2+s3], $0x80, v4, vm0, $0xb8;
	[tilespmem:$0x18180] =	vst v63  }
0x3e: {  	s8 =	rddreg [dreg:$0xc]  }
0x3f: {  	[tilespmem:s8], [sflag:$0x2] =	stream.indirect_vreg.gather [hbm4b:s2+s3], $0x80, v3, vm0, $0xb8;
	[tilespmem:$0x18180] =	vst v63  }
0x40: {  	v3 =	vld [tilespmem:$0x10];
	_ =	sdelay $0x4  }
0x41: {  	v41 =	vshll.u32 v3, $0x1  }
0x42: {  	v3 =	vand.u32 $0x7, v3;
	v4 =	vand.u32 $0xFFFFFFF0, v41  }
0x43: {  	v3 =	vor.u32 v3, v4  }
0x44: {  	v4 =	vperm.xlane v3, v0;
	_ =	sdelay $0x1  }
0x45: {  	v3 =	vperm.xlane v3, v2;
	v4 =	vadd.s32 v1, v4;
	_ =	sdelay $0x1  }
0x46: {  	v3 =	vadd.s32 v1, v3;
	_ =	sdelay $0x1  }
0x47: {  	s9 =	rddreg [dreg:$0xd]  }
0x48: {  	[tilespmem:s9], [sflag:$0x2] =	stream.indirect_vreg.gather [hbm4b:s2+s3], $0x80, v4, vm0, $0xb8;
	[tilespmem:$0x18180] =	vst v63  }
0x49: {  	s11 =	rddreg [dreg:$0xe]  }
0x4a: {  	[tilespmem:s11], [sflag:$0x2] =	stream.indirect_vreg.gather [hbm4b:s2+s3], $0x80, v3, vm0, $0xb8;
	[tilespmem:$0x18180] =	vst v63  }
0x4b: {  	v3 =	vld [tilespmem:$0x20];
	_ =	sdelay $0x4  }
0x4c: {  	v42 =	vshll.u32 v3, $0x1  }
0x4d: {  	v3 =	vand.u32 $0x7, v3;
	v4 =	vand.u32 $0xFFFFFFF0, v42  }
0x4e: {  	v3 =	vor.u32 v3, v4  }
0x4f: {  	v4 =	vperm.xlane v3, v0;
	_ =	sdelay $0x1  }
0x50: {  	v3 =	vperm.xlane v3, v2;
	v4 =	vadd.s32 v1, v4;
	_ =	sdelay $0x1  }
0x51: {  	v3 =	vadd.s32 v1, v3;
	_ =	sdelay $0x1  }
0x52: {  	s9 =	rddreg [dreg:$0xf]  }
0x53: {  	[tilespmem:s9], [sflag:$0x2] =	stream.indirect_vreg.gather [hbm4b:s2+s3], $0x80, v4, vm0, $0xb8;
	[tilespmem:$0x18180] =	vst v63  }
0x54: {  	s11 =	rddreg [dreg:$0x10]  }
0x55: {  	[tilespmem:s11], [sflag:$0x2] =	stream.indirect_vreg.gather [hbm4b:s2+s3], $0x80, v3, vm0, $0xb8;
	[tilespmem:$0x18180] =	vst v63  }
0x56: {  	v3 =	vld [tilespmem:$0x30];
	_ =	sdelay $0x4  }
0x57: {  	v43 =	vshll.u32 v3, $0x1  }
0x58: {  	v3 =	vand.u32 $0x7, v3;
	v4 =	vand.u32 $0xFFFFFFF0, v43  }
0x59: {  	v3 =	vor.u32 v3, v4  }
0x5a: {  	v4 =	vperm.xlane v3, v0;
	_ =	sdelay $0x1  }
0x5b: {  	v3 =	vperm.xlane v3, v2;
	v4 =	vadd.s32 v1, v4;
	_ =	sdelay $0x1  }
0x5c: {  	v3 =	vadd.s32 v1, v3;
	_ =	sdelay $0x1  }
0x5d: {  	s9 =	rddreg [dreg:$0x11]  }
0x5e: {  	[tilespmem:s9], [sflag:$0x2] =	stream.indirect_vreg.gather [hbm4b:s2+s3], $0x80, v4, vm0, $0xb8;
	[tilespmem:$0x18180] =	vst v63  }
0x5f: {  	s11 =	rddreg [dreg:$0x12]  }
0x60: {  	[tilespmem:s11], [sflag:$0x2] =	stream.indirect_vreg.gather [hbm4b:s2+s3], $0x80, v3, vm0, $0xb8;
	[tilespmem:$0x18180] =	vst v63  }
0x61: {  	v3 =	vld [tilespmem:$0x40];
	_ =	sdelay $0x4  }
0x62: {  	v44 =	vshll.u32 v3, $0x1  }
0x63: {  	v3 =	vand.u32 $0x7, v3;
	v4 =	vand.u32 $0xFFFFFFF0, v44  }
0x64: {  	v3 =	vor.u32 v3, v4  }
0x65: {  	v4 =	vperm.xlane v3, v0;
	_ =	sdelay $0x1  }
0x66: {  	v3 =	vperm.xlane v3, v2;
	v4 =	vadd.s32 v1, v4;
	_ =	sdelay $0x1  }
0x67: {  	v3 =	vadd.s32 v1, v3;
	_ =	sdelay $0x1  }
0x68: {  	s9 =	rddreg [dreg:$0x13]  }
0x69: {  	[tilespmem:s9], [sflag:$0x2] =	stream.indirect_vreg.gather [hbm4b:s2+s3], $0x80, v4, vm0, $0xb8;
	[tilespmem:$0x18180] =	vst v63  }
0x6a: {  	s11 =	rddreg [dreg:$0x14]  }
0x6b: {  	[tilespmem:s11], [sflag:$0x2] =	stream.indirect_vreg.gather [hbm4b:s2+s3], $0x80, v3, vm0, $0xb8;
	[tilespmem:$0x18180] =	vst v63  }
0x6c: {  	v3 =	vld [tilespmem:$0x50];
	_ =	sdelay $0x4  }
0x6d: {  	v45 =	vshll.u32 v3, $0x1  }
0x6e: {  	v3 =	vand.u32 $0x7, v3;
	v4 =	vand.u32 $0xFFFFFFF0, v45  }
0x6f: {  	v3 =	vor.u32 v3, v4  }
0x70: {  	v4 =	vperm.xlane v3, v0;
	_ =	sdelay $0x1  }
0x71: {  	v3 =	vperm.xlane v3, v2;
	v4 =	vadd.s32 v1, v4;
	_ =	sdelay $0x1  }
0x72: {  	v3 =	vadd.s32 v1, v3;
	_ =	sdelay $0x1  }
0x73: {  	s9 =	rddreg [dreg:$0x15]  }
0x74: {  	[tilespmem:s9], [sflag:$0x2] =	stream.indirect_vreg.gather [hbm4b:s2+s3], $0x80, v4, vm0, $0xb8;
	[tilespmem:$0x18180] =	vst v63  }
0x75: {  	s11 =	rddreg [dreg:$0x16]  }
0x76: {  	[tilespmem:s11], [sflag:$0x2] =	stream.indirect_vreg.gather [hbm4b:s2+s3], $0x80, v3, vm0, $0xb8;
	[tilespmem:$0x18180] =	vst v63  }
0x77: {  	v3 =	vld [tilespmem:$0x60];
	_ =	sdelay $0x4  }
0x78: {  	v46 =	vshll.u32 v3, $0x1  }
0x79: {  	v3 =	vand.u32 $0x7, v3;
	v4 =	vand.u32 $0xFFFFFFF0, v46  }
0x7a: {  	v3 =	vor.u32 v3, v4  }
0x7b: {  	v4 =	vperm.xlane v3, v0;
	_ =	sdelay $0x1  }
0x7c: {  	v3 =	vperm.xlane v3, v2;
	v4 =	vadd.s32 v1, v4;
	_ =	sdelay $0x1  }
0x7d: {  	v3 =	vadd.s32 v1, v3;
	_ =	sdelay $0x1  }
0x7e: {  	s9 =	rddreg [dreg:$0x17]  }
0x7f: {  	[tilespmem:s9], [sflag:$0x2] =	stream.indirect_vreg.gather [hbm4b:s2+s3], $0x80, v4, vm0, $0xb8;
	[tilespmem:$0x18180] =	vst v63  }
0x80: {  	s11 =	rddreg [dreg:$0x18]  }
0x81: {  	[tilespmem:s11], [sflag:$0x2] =	stream.indirect_vreg.gather [hbm4b:s2+s3], $0x80, v3, vm0, $0xb8;
	[tilespmem:$0x18180] =	vst v63  }
0x82: {  	v3 =	vld [tilespmem:$0x70];
	_ =	sdelay $0x4  }
0x83: {  	v47 =	vshll.u32 v3, $0x1  }
0x84: {  	v3 =	vand.u32 $0x7, v3;
	v4 =	vand.u32 $0xFFFFFFF0, v47  }
0x85: {  	v3 =	vor.u32 v3, v4  }
0x86: {  	v4 =	vperm.xlane v3, v0;
	_ =	sdelay $0x1  }
0x87: {  	v3 =	vperm.xlane v3, v2;
	v4 =	vadd.s32 v1, v4;
	_ =	sdelay $0x1  }
0x88: {  	v3 =	vadd.s32 v1, v3;
	_ =	sdelay $0x1  }
0x89: {  	s9 =	rddreg [dreg:$0x19]  }
0x8a: {  	[tilespmem:s9], [sflag:$0x2] =	stream.indirect_vreg.gather [hbm4b:s2+s3], $0x80, v4, vm0, $0xb8;
	[tilespmem:$0x18180] =	vst v63  }
0x8b: {  	s11 =	rddreg [dreg:$0x1a]  }
0x8c: {  	[tilespmem:s11], [sflag:$0x2] =	stream.indirect_vreg.gather [hbm4b:s2+s3], $0x80, v3, vm0, $0xb8;
	[tilespmem:$0x18180] =	vst v63  }
0x8d: {  	_ =	swait.ge [sflag:s5], $0x80  }
0x8e: {  	[sflag:s5] =	ssyncset.done $0x0  }
0x8f: {  	[sflag:s5] =	ssyncadd.s32 $0xFFFFFF80  }
0x90: {  	v3 =	vld [tilespmem:$0x80];
	_ =	sdelay $0x4  }
0x91: {  	v48 =	vshll.u32 v3, $0x1  }
0x92: {  	v3 =	vand.u32 $0x7, v3;
	v4 =	vand.u32 $0xFFFFFFF0, v48  }
0x93: {  	v3 =	vor.u32 v3, v4  }
0x94: {  	v4 =	vperm.xlane v3, v0;
	_ =	sdelay $0x1  }
0x95: {  	v3 =	vperm.xlane v3, v2;
	v4 =	vadd.s32 v1, v4;
	_ =	sdelay $0x1  }
0x96: {  	v3 =	vadd.s32 v1, v3;
	_ =	sdelay $0x2  }
0x97: {  	[tilespmem:s7], [sflag:$0x3] =	stream.indirect_vreg.gather [hbm4b:s2+s3], $0x80, v4, vm0, $0xb8;
	[tilespmem:$0x18180] =	vst v63  }
0x98: {  	s8 =	rddreg [dreg:$0x1b]  }
0x99: {  	[tilespmem:s8], [sflag:$0x3] =	stream.indirect_vreg.gather [hbm4b:s2+s3], $0x80, v3, vm0, $0xb8;
	[tilespmem:$0x18180] =	vst v63  }
0x9a: {  	v3 =	vld [tilespmem:$0x90];
	_ =	sdelay $0x4  }
0x9b: {  	v49 =	vshll.u32 v3, $0x1  }
0x9c: {  	v3 =	vand.u32 $0x7, v3;
	v4 =	vand.u32 $0xFFFFFFF0, v49  }
0x9d: {  	v3 =	vor.u32 v3, v4  }
0x9e: {  	v4 =	vperm.xlane v3, v0;
	_ =	sdelay $0x1  }
0x9f: {  	v3 =	vperm.xlane v3, v2;
	v4 =	vadd.s32 v1, v4;
	_ =	sdelay $0x1  }
0xa0: {  	v3 =	vadd.s32 v1, v3;
	_ =	sdelay $0x1  }
0xa1: {  	s9 =	rddreg [dreg:$0x1c]  }
0xa2: {  	[tilespmem:s9], [sflag:$0x3] =	stream.indirect_vreg.gather [hbm4b:s2+s3], $0x80, v4, vm0, $0xb8;
	[tilespmem:$0x18180] =	vst v63  }
0xa3: {  	s11 =	rddreg [dreg:$0x1d]  }
0xa4: {  	[tilespmem:s11], [sflag:$0x3] =	stream.indirect_vreg.gather [hbm4b:s2+s3], $0x80, v3, vm0, $0xb8;
	[tilespmem:$0x18180] =	vst v63  }
0xa5: {  	v3 =	vld [tilespmem:$0xA0];
	_ =	sdelay $0x4  }
0xa6: {  	v50 =	vshll.u32 v3, $0x1  }
0xa7: {  	v3 =	vand.u32 $0x7, v3;
	v4 =	vand.u32 $0xFFFFFFF0, v50  }
0xa8: {  	v3 =	vor.u32 v3, v4  }
0xa9: {  	v4 =	vperm.xlane v3, v0;
	_ =	sdelay $0x1  }
0xaa: {  	v3 =	vperm.xlane v3, v2;
	v4 =	vadd.s32 v1, v4;
	_ =	sdelay $0x1  }
0xab: {  	v3 =	vadd.s32 v1, v3;
	_ =	sdelay $0x1  }
0xac: {  	s9 =	rddreg [dreg:$0x1e]  }
0xad: {  	[tilespmem:s9], [sflag:$0x3] =	stream.indirect_vreg.gather [hbm4b:s2+s3], $0x80, v4, vm0, $0xb8;
	[tilespmem:$0x18180] =	vst v63  }
0xae: {  	s11 =	rddreg [dreg:$0x1f]  }
0xaf: {  	[tilespmem:s11], [sflag:$0x3] =	stream.indirect_vreg.gather [hbm4b:s2+s3], $0x80, v3, vm0, $0xb8;
	[tilespmem:$0x18180] =	vst v63  }
0xb0: {  	v3 =	vld [tilespmem:$0xB0];
	_ =	sdelay $0x4  }
0xb1: {  	v51 =	vshll.u32 v3, $0x1  }
0xb2: {  	v3 =	vand.u32 $0x7, v3;
	v4 =	vand.u32 $0xFFFFFFF0, v51  }
0xb3: {  	v3 =	vor.u32 v3, v4  }
0xb4: {  	v4 =	vperm.xlane v3, v0;
	_ =	sdelay $0x1  }
0xb5: {  	v3 =	vperm.xlane v3, v2;
	v4 =	vadd.s32 v1, v4;
	_ =	sdelay $0x1  }
0xb6: {  	s9 =	sld [smem:$0x7F6];
	v3 =	vadd.s32 v1, v3;
	_ =	sdelay $0x1  }
0xb7: {  	s11 =	sld [smem:$0x7F7]  }
0xb8: {  	[tilespmem:s9], [sflag:$0x3] =	stream.indirect_vreg.gather [hbm4b:s2+s3], $0x80, v4, vm0, $0xb8;
	[tilespmem:$0x18180] =	vst v63  }
0xb9: {  	_ = 	snop  }
0xba: {  	[tilespmem:s11], [sflag:$0x3] =	stream.indirect_vreg.gather [hbm4b:s2+s3], $0x80, v3, vm0, $0xb8;
	[tilespmem:$0x18180] =	vst v63  }
0xbb: {  	v3 =	vld [tilespmem:$0xC0];
	_ =	sdelay $0x4  }
0xbc: {  	v52 =	vshll.u32 v3, $0x1  }
0xbd: {  	v3 =	vand.u32 $0x7, v3;
	v4 =	vand.u32 $0xFFFFFFF0, v52  }
0xbe: {  	v3 =	vor.u32 v3, v4  }
0xbf: {  	v4 =	vperm.xlane v3, v0;
	_ =	sdelay $0x1  }
0xc0: {  	v3 =	vperm.xlane v3, v2;
	v4 =	vadd.s32 v1, v4;
	_ =	sdelay $0x1  }
0xc1: {  	s9 =	sld [smem:$0x7F8];
	v3 =	vadd.s32 v1, v3;
	_ =	sdelay $0x1  }
0xc2: {  	s11 =	sld [smem:$0x7F9]  }
0xc3: {  	[tilespmem:s9], [sflag:$0x3] =	stream.indirect_vreg.gather [hbm4b:s2+s3], $0x80, v4, vm0, $0xb8;
	[tilespmem:$0x18180] =	vst v63  }
0xc4: {  	_ = 	snop  }
0xc5: {  	[tilespmem:s11], [sflag:$0x3] =	stream.indirect_vreg.gather [hbm4b:s2+s3], $0x80, v3, vm0, $0xb8;
	[tilespmem:$0x18180] =	vst v63  }
0xc6: {  	v3 =	vld [tilespmem:$0xD0];
	_ =	sdelay $0x4  }
0xc7: {  	v53 =	vshll.u32 v3, $0x1  }
0xc8: {  	v3 =	vand.u32 $0x7, v3;
	v4 =	vand.u32 $0xFFFFFFF0, v53  }
0xc9: {  	v3 =	vor.u32 v3, v4  }
0xca: {  	v4 =	vperm.xlane v3, v0;
	_ =	sdelay $0x1  }
0xcb: {  	v3 =	vperm.xlane v3, v2;
	v4 =	vadd.s32 v1, v4;
	_ =	sdelay $0x1  }
0xcc: {  	s9 =	sld [smem:$0x7FA];
	v3 =	vadd.s32 v1, v3;
	_ =	sdelay $0x1  }
0xcd: {  	s11 =	sld [smem:$0x7FB]  }
0xce: {  	[tilespmem:s9], [sflag:$0x3] =	stream.indirect_vreg.gather [hbm4b:s2+s3], $0x80, v4, vm0, $0xb8;
	[tilespmem:$0x18180] =	vst v63  }
0xcf: {  	_ = 	snop  }
0xd0: {  	[tilespmem:s11], [sflag:$0x3] =	stream.indirect_vreg.gather [hbm4b:s2+s3], $0x80, v3, vm0, $0xb8;
	[tilespmem:$0x18180] =	vst v63  }
0xd1: {  	v3 =	vld [tilespmem:$0xE0];
	_ =	sdelay $0x4  }
0xd2: {  	v54 =	vshll.u32 v3, $0x1  }
0xd3: {  	v3 =	vand.u32 $0x7, v3;
	v4 =	vand.u32 $0xFFFFFFF0, v54  }
0xd4: {  	v3 =	vor.u32 v3, v4  }
0xd5: {  	v4 =	vperm.xlane v3, v0;
	_ =	sdelay $0x1  }
0xd6: {  	v3 =	vperm.xlane v3, v2;
	v4 =	vadd.s32 v1, v4;
	_ =	sdelay $0x1  }
0xd7: {  	s9 =	sld [smem:$0x7FC];
	v3 =	vadd.s32 v1, v3;
	_ =	sdelay $0x1  }
0xd8: {  	s11 =	sld [smem:$0x7FD]  }
0xd9: {  	[tilespmem:s9], [sflag:$0x3] =	stream.indirect_vreg.gather [hbm4b:s2+s3], $0x80, v4, vm0, $0xb8;
	[tilespmem:$0x18180] =	vst v63  }
0xda: {  	_ = 	snop  }
0xdb: {  	[tilespmem:s11], [sflag:$0x3] =	stream.indirect_vreg.gather [hbm4b:s2+s3], $0x80, v3, vm0, $0xb8;
	[tilespmem:$0x18180] =	vst v63  }
0xdc: {  	v3 =	vld [tilespmem:$0xF0];
	_ =	sdelay $0x4  }
0xdd: {  	v55 =	vshll.u32 v3, $0x1  }
0xde: {  	v3 =	vand.u32 $0x7, v3;
	v4 =	vand.u32 $0xFFFFFFF0, v55  }
0xdf: {  	v3 =	vor.u32 v3, v4  }
0xe0: {  	v4 =	vperm.xlane v3, v0;
	_ =	sdelay $0x1  }
0xe1: {  	v3 =	vperm.xlane v3, v2;
	v4 =	vadd.s32 v1, v4;
	_ =	sdelay $0x1  }
0xe2: {  	v3 =	vadd.s32 v1, v3;
	_ =	sdelay $0x1  }
0xe3: {  	s8 =	simm.s32 $0xF180  }
0xe4: {  	[tilespmem:s8], [sflag:$0x3] =	stream.indirect_vreg.gather [hbm4b:s2+s3], $0x80, v4, vm0, $0xb8;
	[tilespmem:$0x18180] =	vst v63  }
0xe5: {  	s9 =	simm.s32 $0xF980  }
0xe6: {  	[tilespmem:s9], [sflag:$0x3] =	stream.indirect_vreg.gather [hbm4b:s2+s3], $0x80, v3, vm0, $0xb8;
	[tilespmem:$0x18180] =	vst v63  }
0xe7: {  	_ =	swait.ge [sflag:s5], $0x80  }
0xe8: {  	[sflag:s5] =	ssyncset.done $0x0  }
0xe9: {  	[sflag:s5] =	ssyncadd.s32 $0xFFFFFF80  }
0xea: {  	v3 =	vld [tilespmem:$0x100];
	_ =	sdelay $0x4  }
0xeb: {  	v56 =	vshll.u32 v3, $0x1  }
0xec: {  	v3 =	vand.u32 $0x7, v3;
	v4 =	vand.u32 $0xFFFFFFF0, v56  }
0xed: {  	v3 =	vor.u32 v3, v4  }
0xee: {  	v4 =	vperm.xlane v3, v0;
	_ =	sdelay $0x1  }
0xef: {  	v3 =	vperm.xlane v3, v2;
	v4 =	vadd.s32 v1, v4;
	_ =	sdelay $0x1  }
0xf0: {  	v3 =	vadd.s32 v1, v3;
	_ =	sdelay $0x2  }
0xf1: {  	[tilespmem:s10], [sflag:$0x4] =	stream.indirect_vreg.gather [hbm4b:s2+s3], $0x80, v4, vm0, $0xb8;
	[tilespmem:$0x18180] =	vst v63  }
0xf2: {  	s11 =	simm.s32 $0x10980  }
0xf3: {  	[tilespmem:s11], [sflag:$0x4] =	stream.indirect_vreg.gather [hbm4b:s2+s3], $0x80, v3, vm0, $0xb8;
	[tilespmem:$0x18180] =	vst v63  }
0xf4: {  	v3 =	vld [tilespmem:$0x110];
	_ =	sdelay $0x4  }
0xf5: {  	v57 =	vshll.u32 v3, $0x1  }
0xf6: {  	v3 =	vand.u32 $0x7, v3;
	v4 =	vand.u32 $0xFFFFFFF0, v57  }
0xf7: {  	v3 =	vor.u32 v3, v4  }
0xf8: {  	v4 =	vperm.xlane v3, v0;
	_ =	sdelay $0x1  }
0xf9: {  	v3 =	vperm.xlane v3, v2;
	v4 =	vadd.s32 v1, v4;
	_ =	sdelay $0x1  }
0xfa: {  	v3 =	vadd.s32 v1, v3;
	_ =	sdelay $0x2  }
0xfb: {  	[tilespmem:s12], [sflag:$0x4] =	stream.indirect_vreg.gather [hbm4b:s2+s3], $0x80, v4, vm0, $0xb8;
	[tilespmem:$0x18180] =	vst v63  }
0xfc: {  	_ = 	snop  }
0xfd: {  	[tilespmem:s13], [sflag:$0x4] =	stream.indirect_vreg.gather [hbm4b:s2+s3], $0x80, v3, vm0, $0xb8;
	[tilespmem:$0x18180] =	vst v63  }
0xfe: {  	v3 =	vld [tilespmem:$0x120];
	_ =	sdelay $0x4  }
0xff: {  	v58 =	vshll.u32 v3, $0x1  }
0x100: {  	v3 =	vand.u32 $0x7, v3;
	v4 =	vand.u32 $0xFFFFFFF0, v58  }
0x101: {  	v3 =	vor.u32 v3, v4  }
0x102: {  	v4 =	vperm.xlane v3, v0;
	_ =	sdelay $0x1  }
0x103: {  	v3 =	vperm.xlane v3, v2;
	v4 =	vadd.s32 v1, v4;
	_ =	sdelay $0x1  }
0x104: {  	v3 =	vadd.s32 v1, v3;
	_ =	sdelay $0x2  }
0x105: {  	[tilespmem:s14], [sflag:$0x4] =	stream.indirect_vreg.gather [hbm4b:s2+s3], $0x80, v4, vm0, $0xb8;
	[tilespmem:$0x18180] =	vst v63  }
0x106: {  	_ = 	snop  }
0x107: {  	[tilespmem:s15], [sflag:$0x4] =	stream.indirect_vreg.gather [hbm4b:s2+s3], $0x80, v3, vm0, $0xb8;
	[tilespmem:$0x18180] =	vst v63  }
0x108: {  	v3 =	vld [tilespmem:$0x130];
	_ =	sdelay $0x4  }
0x109: {  	v59 =	vshll.u32 v3, $0x1  }
0x10a: {  	v3 =	vand.u32 $0x7, v3;
	v4 =	vand.u32 $0xFFFFFFF0, v59  }
0x10b: {  	v3 =	vor.u32 v3, v4  }
0x10c: {  	v4 =	vperm.xlane v3, v0;
	_ =	sdelay $0x1  }
0x10d: {  	v3 =	vperm.xlane v3, v2;
	v4 =	vadd.s32 v1, v4;
	_ =	sdelay $0x1  }
0x10e: {  	v3 =	vadd.s32 v1, v3;
	_ =	sdelay $0x2  }
0x10f: {  	[tilespmem:s16], [sflag:$0x4] =	stream.indirect_vreg.gather [hbm4b:s2+s3], $0x80, v4, vm0, $0xb8;
	[tilespmem:$0x18180] =	vst v63  }
0x110: {  	_ = 	snop  }
0x111: {  	[tilespmem:s17], [sflag:$0x4] =	stream.indirect_vreg.gather [hbm4b:s2+s3], $0x80, v3, vm0, $0xb8;
	[tilespmem:$0x18180] =	vst v63  }
0x112: {  	v3 =	vld [tilespmem:$0x140];
	_ =	sdelay $0x4  }
0x113: {  	v60 =	vshll.u32 v3, $0x1  }
0x114: {  	v3 =	vand.u32 $0x7, v3;
	v4 =	vand.u32 $0xFFFFFFF0, v60  }
0x115: {  	v3 =	vor.u32 v3, v4  }
0x116: {  	v4 =	vperm.xlane v3, v0;
	_ =	sdelay $0x1  }
0x117: {  	v3 =	vperm.xlane v3, v2;
	v4 =	vadd.s32 v1, v4;
	_ =	sdelay $0x1  }
0x118: {  	v3 =	vadd.s32 v1, v3;
	_ =	sdelay $0x2  }
0x119: {  	[tilespmem:s18], [sflag:$0x4] =	stream.indirect_vreg.gather [hbm4b:s2+s3], $0x80, v4, vm0, $0xb8;
	[tilespmem:$0x18180] =	vst v63  }
0x11a: {  	_ = 	snop  }
0x11b: {  	[tilespmem:s19], [sflag:$0x4] =	stream.indirect_vreg.gather [hbm4b:s2+s3], $0x80, v3, vm0, $0xb8;
	[tilespmem:$0x18180] =	vst v63  }
0x11c: {  	v3 =	vld [tilespmem:$0x150];
	_ =	sdelay $0x4  }
0x11d: {  	v61 =	vshll.u32 v3, $0x1  }
0x11e: {  	v3 =	vand.u32 $0x7, v3;
	v4 =	vand.u32 $0xFFFFFFF0, v61  }
0x11f: {  	v3 =	vor.u32 v3, v4  }
0x120: {  	v4 =	vperm.xlane v3, v0;
	_ =	sdelay $0x1  }
0x121: {  	v3 =	vperm.xlane v3, v2;
	v4 =	vadd.s32 v1, v4;
	_ =	sdelay $0x1  }
0x122: {  	v3 =	vadd.s32 v1, v3;
	_ =	sdelay $0x2  }
0x123: {  	[tilespmem:s20], [sflag:$0x4] =	stream.indirect_vreg.gather [hbm4b:s2+s3], $0x80, v4, vm0, $0xb8;
	[tilespmem:$0x18180] =	vst v63  }
0x124: {  	_ = 	snop  }
0x125: {  	[tilespmem:s21], [sflag:$0x4] =	stream.indirect_vreg.gather [hbm4b:s2+s3], $0x80, v3, vm0, $0xb8;
	[tilespmem:$0x18180] =	vst v63  }
0x126: {  	v3 =	vld [tilespmem:$0x160];
	_ =	sdelay $0x4  }
0x127: {  	v62 =	vshll.u32 v3, $0x1  }
0x128: {  	v3 =	vand.u32 $0x7, v3;
	v4 =	vand.u32 $0xFFFFFFF0, v62  }
0x129: {  	v3 =	vor.u32 v3, v4  }
0x12a: {  	v4 =	vperm.xlane v3, v0;
	_ =	sdelay $0x1  }
0x12b: {  	v3 =	vperm.xlane v3, v2;
	v4 =	vadd.s32 v1, v4;
	_ =	sdelay $0x1  }
0x12c: {  	v3 =	vadd.s32 v1, v3;
	_ =	sdelay $0x2  }
0x12d: {  	[tilespmem:s22], [sflag:$0x4] =	stream.indirect_vreg.gather [hbm4b:s2+s3], $0x80, v4, vm0, $0xb8;
	[tilespmem:$0x18180] =	vst v63  }
0x12e: {  	_ = 	snop  }
0x12f: {  	[tilespmem:s23], [sflag:$0x4] =	stream.indirect_vreg.gather [hbm4b:s2+s3], $0x80, v3, vm0, $0xb8;
	[tilespmem:$0x18180] =	vst v63  }
0x130: {  	v3 =	vld [tilespmem:$0x170];
	_ =	sdelay $0x4  }
0x131: {  	v63 =	vshll.u32 v3, $0x1  }
0x132: {  	v3 =	vand.u32 $0x7, v3;
	v4 =	vand.u32 $0xFFFFFFF0, v63  }
0x133: {  	v3 =	vor.u32 v3, v4  }
0x134: {  	v4 =	vperm.xlane v3, v0;
	_ =	sdelay $0x1  }
0x135: {  	v3 =	vperm.xlane v3, v2;
	v4 =	vadd.s32 v1, v4;
	_ =	sdelay $0x1  }
0x136: {  	v3 =	vadd.s32 v1, v3;
	_ =	sdelay $0x2  }
0x137: {  	[tilespmem:s24], [sflag:$0x4] =	stream.indirect_vreg.gather [hbm4b:s2+s3], $0x80, v4, vm0, $0xb8;
	[tilespmem:$0x18180] =	vst v63  }
0x138: {  	_ = 	snop  }
0x139: {  	[tilespmem:s25], [sflag:$0x4] =	stream.indirect_vreg.gather [hbm4b:s2+s3], $0x80, v3, vm0, $0xb8;
	[tilespmem:$0x18180] =	vst v63  }
0x13a: {  	_ =	swait.ge [sflag:s26], $0x8000  }
0x13b: {  	[sflag:s26] =	ssyncset.done $0x0  }
0x13c: {  	s8 =	rddreg [dreg:$0x7];
	[sflag:s26] =	ssyncadd.s32 $0xFFFF8000  }
0x13d: {  	[hbm4b:s8+s3] =	stream.linear.scatter [tilespmem:s6], [sflag:$0x5], $0x8000, $0x38;
	[tilespmem:$0x18180] =	vst v63  }
0x13e: {  	_ =	swait.ge [sflag:s28], $0x8000  }
0x13f: {  	[sflag:s28] =	ssyncset.done $0x0  }
0x140: {  	s9 =	rddreg [dreg:$0x8];
	[sflag:s28] =	ssyncadd.s32 $0xFFFF8000  }
0x141: {  	[hbm4b:s9+s3] =	stream.linear.scatter [tilespmem:s7], [sflag:$0x6], $0x8000, $0x38;
	[tilespmem:$0x18180] =	vst v63  }
0x142: {  	_ =	swait.ge [sflag:s29], $0x8000  }
0x143: {  	[sflag:s29] =	ssyncset.done $0x0  }
0x144: {  	s11 =	rddreg [dreg:$0x9];
	[sflag:s29] =	ssyncadd.s32 $0xFFFF8000  }
0x145: {  	[hbm4b:s11+s3] =	stream.linear.scatter [tilespmem:s10], [sflag:$0x7], $0x8000, $0x38;
	[tilespmem:$0x18180] =	vst v63  }
0x146: {  	_ =	swait.ge [sflag:s30], $0x8000  }
0x147: {  	[sflag:s30] =	ssyncset.done $0x0  }
0x148: {  	[sflag:s30] =	ssyncadd.s32 $0xFFFF8000  }
0x149: {  	p0 =	sne.s32 s4, $0x1;
	_ =	swait.ge [sflag:s31], $0x8000  }
.Ltmp0:
0x14a: {  	[sflag:s31] =	ssyncset.done $0x0;
	(pc) =	sbr.rel @p0 .LBB2_1-.Ltmp0, $4  }
0x14b: {  	[sflag:s31] =	ssyncadd.s32 $0xFFFF8000  }
0x14c: {  	_ =	swait.ge [sflag:s1], $0x8000  }
0x14d: {  	[sflag:s1] =	ssyncset.done $0x0  }
0x14e: {  	s4 =	sadd.s32 $0xFFFFFFFF, s4;
	[sflag:s1] =	ssyncadd.s32 $0xFFFF8000  }
0x14f: {  	_ =	sfence.sel $0x180000  }
0x150: {  	[bflag:$0x0] =	sbarrier.arrive $0xFFFF  }
0x151: {  	_ =	strace $0x90000047  }
0x152: {  	s0 =	stileid.u32;
	[bflag:$0x2] =	sbarrier.arrive $0xFFFF  }
0x153: {  	p0 =	sne.s32 s0, $0x0;
	s0 =	rddreg [dreg:$0x3]  }
0x154: {  	s0 =	sadd.s32 @!p0 $0x100000, s0  }
0x155: {  	[sflag:s0] =	ssyncadd.tile.s32 @!p0 $0x1;
	_ =	shalt  }
.Lfunc_end2:
_tile_overlayer_lowered:
.L_overlay_start_2:
0x156: {  	(tag) =	ssettag $0x2  }
0x157: {  	s0 =	rddreg [dreg:$0x0];
	s2 =	stileid.u32  }
0x158: {  	s1 =	rddreg [dreg:$0x1];
	p0 =	sne.s32 s2, $0x0  }
0x159: {  	s3 =	rddreg [dreg:$0x2];
	[bflag:$0x3] =	sbarrier.arrive $0xFFFF;
	s2 =	simm.s32 @!p0 $0x1C08  }
0x15a: {  	[timem:s3], [sflag:s2] =	dma.local @!p0 [hbm:s0], s1  }
0x15b: {  	s0 =	simm.s32 @!p0 $0x8  }
0x15c: {  	_ =	swait.ge @!p0 [sflag:s0], s1  }
0x15d: {  	s1 =	ssub.s32 @!p0 $0x0, s1;
	[sflag:s0] =	ssyncset.done @!p0 $0x0  }
0x15e: {  	[sflag:s0] =	ssyncadd.s32 @!p0 s1  }
0x15f: {  	[bflag:$0x3] =	sbarrier.arrive $0xFFFF  }
0x160: {  	_ =	shalt  }

</sc_bundles>
